<compile_context>
chip_gen: v7x
topology: tpu7x:2x2x1
jax: 0.10.2.dev20260603
libtpu: 0.0.44.dev20260713+nightly
codegen_flags: <defaults>
</compile_context>

<pallas_src>
import jax
import jax.numpy as jnp
from jax.experimental import pallas as pl

THRESHOLD = 0.5
NEGPOS_RATIO = 3
V0, V1 = 0.1, 0.2


def _match_body(tgt_ref, tgtv_ref, priors_ref,
                loct_ref, ct_ref, loctv_ref, ctv_ref, hp_ref):
    i = pl.program_id(0)
    pt = priors_ref[...]
    Pn = pt.shape[1]
    pcx, pcy = pt[0:1, :], pt[1:2, :]
    pw, ph = pt[2:3, :], pt[3:4, :]
    px0, py0 = pcx - pw * 0.5, pcy - ph * 0.5
    px1, py1 = pcx + pw * 0.5, pcy + ph * 0.5
    area_b = pw * ph

    def match(tref):
        tg = tref[0]
        T = tg.shape[0]
        tx0, ty0 = tg[:, 0:1], tg[:, 1:2]
        tx1, ty1 = tg[:, 2:3], tg[:, 3:4]
        lab = tg[:, 4:5]
        ix = jnp.maximum(jnp.minimum(px1, tx1) - jnp.maximum(px0, tx0), 0.0)
        iy = jnp.maximum(jnp.minimum(py1, ty1) - jnp.maximum(py0, ty0), 0.0)
        inter = ix * iy
        area_a = (tx1 - tx0) * (ty1 - ty0)
        iou = inter / (area_a + area_b - inter)
        it = jax.lax.broadcasted_iota(jnp.int32, iou.shape, 0)
        ip = jax.lax.broadcasted_iota(jnp.int32, iou.shape, 1)
        bto = jnp.max(iou, axis=0, keepdims=True)
        bti = jnp.min(jnp.where(iou == bto, it, T), axis=0, keepdims=True)
        bpo = jnp.max(iou, axis=1, keepdims=True)
        bpi = jnp.min(jnp.where(iou == bpo, ip, Pn), axis=1, keepdims=True)
        ov = ip == bpi
        any_ov = jnp.max(ov.astype(jnp.int32), axis=0, keepdims=True) > 0
        ov_t = jnp.max(jnp.where(ov, it, -1), axis=0, keepdims=True)
        bto = jnp.where(any_ov, 2.0, bto)
        bti = jnp.where(any_ov, ov_t, bti)
        onehot = (it == bti).astype(jnp.float32)
        mx0 = jnp.sum(onehot * tx0, axis=0, keepdims=True)
        my0 = jnp.sum(onehot * ty0, axis=0, keepdims=True)
        mx1 = jnp.sum(onehot * tx1, axis=0, keepdims=True)
        my1 = jnp.sum(onehot * ty1, axis=0, keepdims=True)
        mlab = jnp.sum(onehot * lab, axis=0, keepdims=True)
        conf = mlab.astype(jnp.int32) + 1
        conf = jnp.where(bto < THRESHOLD, 0, conf)
        gcx = ((mx0 + mx1) * 0.5 - pcx) / (V0 * pw)
        gcy = ((my0 + my1) * 0.5 - pcy) / (V0 * ph)
        gw = jnp.log((mx1 - mx0) / pw) / V1
        gh = jnp.log((my1 - my0) / ph) / V1
        loc = jnp.concatenate([gcx, gcy, gw, gh], axis=0)
        return loc, conf

    loc, conf = match(tgt_ref)
    locv, confv = match(tgtv_ref)
    loct_ref[0] = loc
    ct_ref[0] = conf
    loctv_ref[0] = locv
    ctv_ref[0] = confv
    pos_any = jnp.max(((conf > 0) & (confv > 0)).astype(jnp.float32),
                      axis=1, keepdims=True)

    @pl.when(i == 0)
    def _():
        hp_ref[...] = jnp.zeros((1, 1), jnp.float32)

    hp_ref[...] = jnp.maximum(hp_ref[...], pos_any)


def _loss_b1_body(conf_ref, confv_ref, loc_ref, locv_ref,
                  loct_ref, loctv_ref, ct_ref, ctv_ref, hp_ref,
                  v_ref, cevn_ref, npos_ref, ll_ref, llv_ref,
                  lcp_ref, lcvp_ref):
    j = pl.program_id(1)
    cf = conf_ref[0]
    cfv = confv_ref[0]
    ct = ct_ref[0]
    ctv = ctv_ref[0]
    hp_f = hp_ref[...]
    pa0_f = (ct > 0).astype(jnp.float32)
    pv0_f = (ctv > 0).astype(jnp.float32)
    pb_f = pa0_f * pv0_f
    pa_f = hp_f * pb_f + (1.0 - hp_f) * pa0_f
    pv_f = hp_f * pb_f + (1.0 - hp_f) * pv0_f

    ic = jax.lax.broadcasted_iota(jnp.int32, cf.shape, 0)
    m = jnp.max(cf, axis=0, keepdims=True)
    lse = m + jnp.log(jnp.sum(jnp.exp(cf - m), axis=0, keepdims=True))
    gath = jnp.sum(jnp.where(ic == ct, cf, 0.0), axis=0, keepdims=True)
    ce = lse - gath
    mv = jnp.max(cfv, axis=0, keepdims=True)
    lsev = mv + jnp.log(jnp.sum(jnp.exp(cfv - mv), axis=0, keepdims=True))
    gathv = jnp.sum(jnp.where(ic == ctv, cfv, 0.0), axis=0, keepdims=True)
    cev = lsev - gathv

    d = loc_ref[0] - loct_ref[0]
    ad = jnp.abs(d)
    s1 = jnp.where(ad < 1.0, 0.5 * d * d, ad - 0.5)
    ll = jnp.sum(s1 * pa_f)
    dv = locv_ref[0] - loctv_ref[0]
    adv = jnp.abs(dv)
    s1v = jnp.where(adv < 1.0, 0.5 * dv * dv, adv - 0.5)
    llv = jnp.sum(s1v * pv_f)

    v = jnp.maximum(ce * (1.0 - pa_f), 0.0)
    v_ref[0] = v
    cevn_ref[0] = cev * (1.0 - pv_f)

    num_pos = jnp.sum(pa_f)
    lcp = jnp.sum(ce * pa_f)
    lcvp = jnp.sum(cev * pv_f)

    @pl.when(j == 0)
    def _():
        z = jnp.zeros((1, 1, 1), jnp.float32)
        npos_ref[...] = z
        ll_ref[...] = z
        llv_ref[...] = z
        lcp_ref[...] = z
        lcvp_ref[...] = z

    npos_ref[...] += jnp.full((1, 1, 1), num_pos)
    ll_ref[...] += jnp.full((1, 1, 1), ll)
    llv_ref[...] += jnp.full((1, 1, 1), llv)
    lcp_ref[...] += jnp.full((1, 1, 1), lcp)
    lcvp_ref[...] += jnp.full((1, 1, 1), lcvp)


def _loss_b2_body(v_ref, cevn_ref, npos_ref, topk_ref, visx_ref):
    v = v_ref[0]
    Pn = v.shape[1]
    cevn = cevn_ref[0]
    num_pos = jnp.sum(npos_ref[...])
    k = jnp.minimum(NEGPOS_RATIO * num_pos.astype(jnp.int32),
                    jnp.int32(Pn - 1))
    bits = jax.lax.bitcast_convert_type(v, jnp.int32)

    def bs_body(_, c):
        lo, hi = c
        mid = lo + (hi - lo) // 2
        cnt = jnp.sum((bits > mid).astype(jnp.int32))
        big = cnt >= k
        return (jnp.where(big, mid + 1, lo), jnp.where(big, hi, mid))

    lo, _ = jax.lax.fori_loop(0, 31, bs_body,
                              (jnp.int32(0), jnp.int32(0x7F800000)))
    t = jax.lax.bitcast_convert_type(lo, jnp.float32)
    gt = bits > lo
    cnt_gt = jnp.sum(gt.astype(jnp.int32))
    r = k - cnt_gt
    topk = jnp.sum(jnp.where(gt, v, 0.0)) + r.astype(jnp.float32) * t

    eq = bits == lo
    ipx = jax.lax.broadcasted_iota(jnp.int32, eq.shape, 1)

    def bs2_body(_, c):
        lo2, hi2 = c
        mid = lo2 + (hi2 - lo2) // 2
        cnt = jnp.sum((eq & (ipx < mid)).astype(jnp.int32))
        enough = cnt >= r
        return (jnp.where(enough, lo2, mid + 1), jnp.where(enough, mid, hi2))

    _, mcut = jax.lax.fori_loop(0, 16, bs2_body,
                                (jnp.int32(0), jnp.int32(Pn)))
    neg = gt | (eq & (ipx < mcut))
    visx = jnp.sum(jnp.where(neg, cevn, 0.0))

    topk_ref[...] = jnp.full((1, 1, 1), topk)
    visx_ref[...] = jnp.full((1, 1, 1), visx)


def _seg_body(f_ref, fv_ref, t_ref, tv_ref, s_ref, sv_ref):
    i = pl.program_id(0)
    j = pl.program_id(1)

    @pl.when((i == 0) & (j == 0))
    def _():
        s_ref[...] = jnp.zeros((1, 1), jnp.float32)
        sv_ref[...] = jnp.zeros((1, 1), jnp.float32)

    def nll_sum(x, tg):
        ic = jax.lax.broadcasted_iota(jnp.int32, x.shape, 0)
        m = jnp.max(x, axis=0, keepdims=True)
        lse = m + jnp.log(jnp.sum(jnp.exp(x - m), axis=0, keepdims=True))
        g = jnp.sum(jnp.where(ic == tg, x, 0.0), axis=0, keepdims=True)
        return jnp.sum(lse - g, axis=1, keepdims=True)

    s_ref[...] = s_ref[...] + nll_sum(f_ref[0], t_ref[0])
    sv_ref[...] = sv_ref[...] + nll_sum(fv_ref[0], tv_ref[0])


def kernel(loc_data, conf_data, loc_data_vis, conf_data_vis, fcn_output,
           fcn_visible_output, priors, targets, targets_vis, seg_targets,
           seg_visible_targets):
    B, Pn, C = conf_data.shape
    T = targets.shape[1]
    _, Cs, H, W = fcn_output.shape
    HW = H * W
    f32 = jnp.float32

    priors_t = jnp.transpose(priors, (1, 0))
    conf_t8 = jnp.transpose(conf_data, (0, 2, 1))
    confv_t8 = jnp.transpose(conf_data_vis, (0, 2, 1))
    loc_t8 = jnp.transpose(loc_data, (0, 2, 1))
    locv_t8 = jnp.transpose(loc_data_vis, (0, 2, 1))

    loct, ct, loctv, ctv, haspos = pl.pallas_call(
        _match_body,
        grid=(B,),
        in_specs=[
            pl.BlockSpec((1, T, 5), lambda i: (i, 0, 0)),
            pl.BlockSpec((1, T, 5), lambda i: (i, 0, 0)),
            pl.BlockSpec((4, Pn), lambda i: (0, 0)),
        ],
        out_specs=[
            pl.BlockSpec((1, 4, Pn), lambda i: (i, 0, 0)),
            pl.BlockSpec((1, 1, Pn), lambda i: (i, 0, 0)),
            pl.BlockSpec((1, 4, Pn), lambda i: (i, 0, 0)),
            pl.BlockSpec((1, 1, Pn), lambda i: (i, 0, 0)),
            pl.BlockSpec((1, 1), lambda i: (0, 0)),
        ],
        out_shape=[
            jax.ShapeDtypeStruct((B, 4, Pn), f32),
            jax.ShapeDtypeStruct((B, 1, Pn), jnp.int32),
            jax.ShapeDtypeStruct((B, 4, Pn), f32),
            jax.ShapeDtypeStruct((B, 1, Pn), jnp.int32),
            jax.ShapeDtypeStruct((1, 1), f32),
        ],
    )(targets, targets_vis, priors_t)

    BP = 8192
    nB = Pn // BP
    v_arr, cevn, npos, ll, llv, lcp, lcvp = pl.pallas_call(
        _loss_b1_body,
        grid=(B, nB),
        in_specs=[
            pl.BlockSpec((1, C, BP), lambda i, j: (i, 0, j)),
            pl.BlockSpec((1, C, BP), lambda i, j: (i, 0, j)),
            pl.BlockSpec((1, 4, BP), lambda i, j: (i, 0, j)),
            pl.BlockSpec((1, 4, BP), lambda i, j: (i, 0, j)),
            pl.BlockSpec((1, 4, BP), lambda i, j: (i, 0, j)),
            pl.BlockSpec((1, 4, BP), lambda i, j: (i, 0, j)),
            pl.BlockSpec((1, 1, BP), lambda i, j: (i, 0, j)),
            pl.BlockSpec((1, 1, BP), lambda i, j: (i, 0, j)),
            pl.BlockSpec((1, 1), lambda i, j: (0, 0)),
        ],
        out_specs=[
            pl.BlockSpec((1, 1, BP), lambda i, j: (i, 0, j)),
            pl.BlockSpec((1, 1, BP), lambda i, j: (i, 0, j)),
        ] + [pl.BlockSpec((1, 1, 1), lambda i, j: (i, 0, 0))] * 5,
        out_shape=[
            jax.ShapeDtypeStruct((B, 1, Pn), f32),
            jax.ShapeDtypeStruct((B, 1, Pn), f32),
        ] + [jax.ShapeDtypeStruct((B, 1, 1), f32)] * 5,
    )(conf_t8, confv_t8, loc_t8, locv_t8, loct, loctv, ct, ctv, haspos)

    topk, visx = pl.pallas_call(
        _loss_b2_body,
        grid=(B,),
        in_specs=[
            pl.BlockSpec((1, 1, Pn), lambda i: (i, 0, 0)),
            pl.BlockSpec((1, 1, Pn), lambda i: (i, 0, 0)),
            pl.BlockSpec((1, 1, 1), lambda i: (i, 0, 0)),
        ],
        out_specs=[pl.BlockSpec((1, 1, 1), lambda i: (i, 0, 0))] * 2,
        out_shape=[jax.ShapeDtypeStruct((B, 1, 1), f32)] * 2,
    )(v_arr, cevn, npos)

    L = 19200
    nL = HW // L
    fcn2 = fcn_output.reshape(B, Cs, HW)
    fcnv2 = fcn_visible_output.reshape(B, Cs, HW)
    segt = seg_targets.reshape(B, 1, HW).astype(jnp.int32)
    segtv = seg_visible_targets.reshape(B, 1, HW).astype(jnp.int32)

    s, sv = pl.pallas_call(
        _seg_body,
        grid=(B, nL),
        in_specs=[
            pl.BlockSpec((1, Cs, L), lambda i, j: (i, 0, j)),
            pl.BlockSpec((1, Cs, L), lambda i, j: (i, 0, j)),
            pl.BlockSpec((1, 1, L), lambda i, j: (i, 0, j)),
            pl.BlockSpec((1, 1, L), lambda i, j: (i, 0, j)),
        ],
        out_specs=[
            pl.BlockSpec((1, 1), lambda i, j: (0, 0)),
            pl.BlockSpec((1, 1), lambda i, j: (0, 0)),
        ],
        out_shape=[
            jax.ShapeDtypeStruct((1, 1), f32),
            jax.ShapeDtypeStruct((1, 1), f32),
        ],
    )(fcn2, fcnv2, segt, segtv)

    N = jnp.sum(npos)
    denom = jnp.float32(B * HW)
    return (jnp.sum(ll) / N, (jnp.sum(lcp) + jnp.sum(topk)) / N,
            jnp.sum(llv) / N, (jnp.sum(lcvp) + jnp.sum(visx)) / N,
            s[0, 0] / denom, sv[0, 0] / denom)

# --- scband reference (transcript-rebuilt; emitter-appended) ---
"""Pipeline reference for scband-multi-box-loss-67637144978049 (READ-ONLY COPY).

The authoritative reference and input builder live on the scoring server;
editing this copy changes nothing except your own understanding.
"""

import jax, jax.numpy as jnp
import numpy as np

NUM_CLASSES = 21
THRESHOLD = 0.5
NEGPOS_RATIO = 3
VARIANCE = (0.1, 0.2)
NUM = 8
P = 24576
O = 16
H, W = 240, 320


def point_form(boxes):
    return jnp.concatenate([boxes[:, :2] - boxes[:, 2:] / 2.0,
                            boxes[:, :2] + boxes[:, 2:] / 2.0], axis=1)


def intersect(box_a, box_b):
    max_xy = jnp.minimum(box_a[:, None, 2:], box_b[None, :, 2:])
    min_xy = jnp.maximum(box_a[:, None, :2], box_b[None, :, :2])
    inter = jnp.clip(max_xy - min_xy, 0.0, None)
    return inter[..., 0] * inter[..., 1]


def jaccard(box_a, box_b):
    inter = intersect(box_a, box_b)
    area_a = ((box_a[:, 2] - box_a[:, 0]) * (box_a[:, 3] - box_a[:, 1]))[:, None]
    area_b = ((box_b[:, 2] - box_b[:, 0]) * (box_b[:, 3] - box_b[:, 1]))[None, :]
    return inter / (area_a + area_b - inter)


def encode(matched, priors, variances):
    g_cxcy = (matched[:, :2] + matched[:, 2:]) / 2.0 - priors[:, :2]
    g_cxcy = g_cxcy / (variances[0] * priors[:, 2:])
    g_wh = (matched[:, 2:] - matched[:, :2]) / priors[:, 2:]
    g_wh = jnp.log(g_wh) / variances[1]
    return jnp.concatenate([g_cxcy, g_wh], axis=1)


def match_one(truths, labels, priors):
    overlaps = jaccard(truths, point_form(priors))
    best_prior_idx = jnp.argmax(overlaps, axis=1)
    best_truth_overlap = jnp.max(overlaps, axis=0)
    best_truth_idx = jnp.argmax(overlaps, axis=0)
    best_truth_overlap = best_truth_overlap.at[best_prior_idx].set(2.0)
    best_truth_idx = best_truth_idx.at[best_prior_idx].set(jnp.arange(truths.shape[0]))
    matches = truths[best_truth_idx]
    conf = labels[best_truth_idx].astype(jnp.int32) + 1
    conf = jnp.where(best_truth_overlap < THRESHOLD, 0, conf)
    loc = encode(matches, priors, VARIANCE)
    return loc, conf


def cross_entropy2d(logits, target):
    log_p = jax.nn.log_softmax(logits, axis=1)
    tgt = jnp.clip(target, 0, logits.shape[1] - 1).astype(jnp.int32)
    nll = -jnp.take_along_axis(log_p, tgt[:, None, :, :], axis=1)[:, 0]
    mask = target >= 0
    loss = jnp.sum(jnp.where(mask, nll, 0.0))
    return loss / jnp.sum(mask).astype(jnp.float32)


def multibox_forward(loc_data, conf_data, loc_data_vis, conf_data_vis,
                     fcn_output, fcn_visible_output,
                     priors, targets, targets_vis, seg_targets, seg_visible_targets):
    num_priors = priors.shape[0]
    truths = targets[:, :, :4]
    labels = targets[:, :, 4]
    truths_v = targets_vis[:, :, :4]
    labels_v = targets_vis[:, :, 4]
    loc_t, conf_t = jax.vmap(lambda t, l: match_one(t, l, priors))(truths, labels)
    loc_t_vis, conf_t_vis = jax.vmap(lambda t, l: match_one(t, l, priors))(truths_v, labels_v)
    loc_t = jax.lax.stop_gradient(loc_t)
    loc_t_vis = jax.lax.stop_gradient(loc_t_vis)

    pos_all = conf_t > 0
    pos_vis = conf_t_vis > 0
    pos = pos_all & pos_vis
    has_pos = jnp.any(pos)
    pos_all = jnp.where(has_pos, pos, pos_all)
    pos_vis = jnp.where(has_pos, pos, pos_vis)

    def smooth_l1(x):
        ax = jnp.abs(x)
        return jnp.where(ax < 1.0, 0.5 * x * x, ax - 0.5)

    loss_l = jnp.sum(smooth_l1(loc_data - loc_t) * pos_all[..., None].astype(loc_data.dtype))
    loss_l_vis = jnp.sum(smooth_l1(loc_data_vis - loc_t_vis) * pos_vis[..., None].astype(loc_data.dtype))

    # hard negative mining (on non-vis conf)
    lse = jax.scipy.special.logsumexp(conf_data, axis=2)
    gathered = jnp.take_along_axis(conf_data, conf_t[..., None], axis=2)[..., 0]
    loss_c_all = lse - gathered
    loss_c_all = jnp.where(pos_all, 0.0, loss_c_all)
    loss_idx = jnp.argsort(-loss_c_all, axis=1)
    idx_rank = jnp.argsort(loss_idx, axis=1)
    num_pos = jnp.sum(pos_all.astype(jnp.int32), axis=1, keepdims=True)
    num_neg = jnp.minimum(NEGPOS_RATIO * num_pos, num_priors - 1)
    neg = idx_rank < num_neg

    ce = lse - gathered
    mask_c = pos_all | neg
    loss_c = jnp.sum(jnp.where(mask_c, ce, 0.0))

    lse_v = jax.scipy.special.logsumexp(conf_data_vis, axis=2)
    gathered_v = jnp.take_along_axis(conf_data_vis, conf_t_vis[..., None], axis=2)[..., 0]
    ce_v = lse_v - gathered_v
    mask_cv = pos_vis | neg
    loss_c_vis = jnp.sum(jnp.where(mask_cv, ce_v, 0.0))

    loss_seg = cross_entropy2d(fcn_output, seg_targets)
    loss_seg_visible = cross_entropy2d(fcn_visible_output, seg_visible_targets)

    N = jnp.sum(num_pos).astype(jnp.float32)
    return (loss_l / N, loss_c / N, loss_l_vis / N, loss_c_vis / N, loss_seg, loss_seg_visible)


def setup_inputs(seed: int = 0):
    key = jax.random.key(seed)
    ks = jax.random.split(key, 12)
    loc_data = jax.random.normal(ks[0], (NUM, P, 4), jnp.float32)
    conf_data = jax.random.normal(ks[1], (NUM, P, NUM_CLASSES), jnp.float32)
    loc_data_vis = jax.random.normal(ks[2], (NUM, P, 4), jnp.float32)
    conf_data_vis = jax.random.normal(ks[3], (NUM, P, NUM_CLASSES), jnp.float32)
    fcn_output = jax.random.normal(ks[4], (NUM, NUM_CLASSES, H, W), jnp.float32)
    fcn_visible_output = jax.random.normal(ks[5], (NUM, NUM_CLASSES, H, W), jnp.float32)
    cxy = jax.random.uniform(ks[6], (P, 2), minval=0.05, maxval=0.95)
    wh = jax.random.uniform(ks[7], (P, 2), minval=0.05, maxval=0.3)
    priors = jnp.concatenate([cxy, wh], axis=1)

    def make_targets(k):
        k1, k2, k3 = jax.random.split(k, 3)
        xy = jax.random.uniform(k1, (NUM, O, 2), minval=0.0, maxval=0.6)
        twh = jax.random.uniform(k2, (NUM, O, 2), minval=0.05, maxval=0.35)
        lab = jax.random.randint(k3, (NUM, O), 0, NUM_CLASSES - 1).astype(jnp.float32)
        return jnp.concatenate([xy, xy + twh, lab[..., None]], axis=2)

    targets = make_targets(ks[8])
    targets_vis = make_targets(ks[9])
    seg_targets = jax.random.randint(ks[10], (NUM, H, W), 0, NUM_CLASSES)
    seg_visible_targets = jax.random.randint(ks[11], (NUM, H, W), 0, NUM_CLASSES)
    return {"loc_data": loc_data, "conf_data": conf_data,
            "loc_data_vis": loc_data_vis, "conf_data_vis": conf_data_vis,
            "fcn_output": fcn_output, "fcn_visible_output": fcn_visible_output,
            "priors": priors, "targets": targets, "targets_vis": targets_vis,
            "seg_targets": seg_targets, "seg_visible_targets": seg_visible_targets}


def reference(loc_data, conf_data, loc_data_vis, conf_data_vis, fcn_output,
              fcn_visible_output, priors, targets, targets_vis, seg_targets,
              seg_visible_targets):
    return multibox_forward(loc_data, conf_data, loc_data_vis, conf_data_vis,
                            fcn_output, fcn_visible_output, priors, targets,
                            targets_vis, seg_targets, seg_visible_targets)

if __name__ == "__main__":
    import jax
    _d = setup_inputs()
    print(jax.jit(kernel)(*tuple(_d.values())))

</pallas_src>

<mosaic_0001>
module attributes {stable_mosaic.version = 14 : i64} {
  func.func @_loss_b1_body(%arg0: i32, %arg1: i32, %arg2: memref<1x21x8192xf32, #tpu.memory_space<vmem>>, %arg3: memref<1x21x8192xf32, #tpu.memory_space<vmem>>, %arg4: memref<1x4x8192xf32, #tpu.memory_space<vmem>>, %arg5: memref<1x4x8192xf32, #tpu.memory_space<vmem>>, %arg6: memref<1x4x8192xf32, #tpu.memory_space<vmem>>, %arg7: memref<1x4x8192xf32, #tpu.memory_space<vmem>>, %arg8: memref<1x1x8192xi32, #tpu.memory_space<vmem>>, %arg9: memref<1x1x8192xi32, #tpu.memory_space<vmem>>, %arg10: memref<1x1xf32, #tpu.memory_space<vmem>>, %arg11: memref<1x1x8192xf32, #tpu.memory_space<vmem>>, %arg12: memref<1x1x8192xf32, #tpu.memory_space<vmem>>, %arg13: memref<1x1x1xf32, #tpu.memory_space<vmem>>, %arg14: memref<1x1x1xf32, #tpu.memory_space<vmem>>, %arg15: memref<1x1x1xf32, #tpu.memory_space<vmem>>, %arg16: memref<1x1x1xf32, #tpu.memory_space<vmem>>, %arg17: memref<1x1x1xf32, #tpu.memory_space<vmem>>) attributes {dimension_semantics = [#tpu.dimension_semantics<arbitrary>, #tpu.dimension_semantics<arbitrary>], iteration_bounds = array<i64: 8, 3>, scalar_prefetch = 0 : i64, scratch_operands = 0 : i64, tpu.core_type = #tpu.core_type<tc>, window_params = [{transform_indices = @transform_0, window_bounds = array<i64: 1, 21, 8192>}, {transform_indices = @transform_1, window_bounds = array<i64: 1, 21, 8192>}, {transform_indices = @transform_2, window_bounds = array<i64: 1, 4, 8192>}, {transform_indices = @transform_3, window_bounds = array<i64: 1, 4, 8192>}, {transform_indices = @transform_4, window_bounds = array<i64: 1, 4, 8192>}, {transform_indices = @transform_5, window_bounds = array<i64: 1, 4, 8192>}, {transform_indices = @transform_6, window_bounds = array<i64: 1, 1, 8192>}, {transform_indices = @transform_7, window_bounds = array<i64: 1, 1, 8192>}, {pipeline_mode = #tpu.pipeline_mode<synchronous>, transform_indices = @transform_8, window_bounds = array<i64: 1, 1>}, {transform_indices = @transform_9, window_bounds = array<i64: 1, 1, 8192>}, {transform_indices = @transform_10, window_bounds = array<i64: 1, 1, 8192>}, {transform_indices = @transform_11, window_bounds = array<i64: 1, 1, 1>}, {transform_indices = @transform_12, window_bounds = array<i64: 1, 1, 1>}, {transform_indices = @transform_13, window_bounds = array<i64: 1, 1, 1>}, {transform_indices = @transform_14, window_bounds = array<i64: 1, 1, 1>}, {transform_indices = @transform_15, window_bounds = array<i64: 1, 1, 1>}]} {
    %get3A = arith.constant 0 : index
    %get3A_0 = arith.constant 0 : index
    %get3A_1 = arith.constant 0 : index
    %get3A_2 = vector.load %arg2[%get3A, %get3A_0, %get3A_1] : memref<1x21x8192xf32, #tpu.memory_space<vmem>>, vector<1x21x8192xf32>
    %get3A_3 = vector.shape_cast %get3A_2 : vector<1x21x8192xf32> to vector<21x8192xf32>
    %get3A_4 = arith.constant 0 : index
    %get3A_5 = arith.constant 0 : index
    %get3A_6 = arith.constant 0 : index
    %get3A_7 = vector.load %arg3[%get3A_4, %get3A_5, %get3A_6] : memref<1x21x8192xf32, #tpu.memory_space<vmem>>, vector<1x21x8192xf32>
    %get3A_8 = vector.shape_cast %get3A_7 : vector<1x21x8192xf32> to vector<21x8192xf32>
    %get3A_9 = arith.constant 0 : index
    %get3A_10 = arith.constant 0 : index
    %get3A_11 = arith.constant 0 : index
    %get3A_12 = vector.load %arg8[%get3A_9, %get3A_10, %get3A_11] : memref<1x1x8192xi32, #tpu.memory_space<vmem>>, vector<1x1x8192xi32>
    %get3A_13 = vector.shape_cast %get3A_12 : vector<1x1x8192xi32> to vector<1x8192xi32>
    %get3A_14 = arith.constant 0 : index
    %get3A_15 = arith.constant 0 : index
    %get3A_16 = arith.constant 0 : index
    %get3A_17 = vector.load %arg9[%get3A_14, %get3A_15, %get3A_16] : memref<1x1x8192xi32, #tpu.memory_space<vmem>>, vector<1x1x8192xi32>
    %get3A_18 = vector.shape_cast %get3A_17 : vector<1x1x8192xi32> to vector<1x8192xi32>
    %get3A_19 = arith.constant 0 : index
    %get3A_20 = arith.constant 0 : index
    %get3A_21 = vector.load %arg10[%get3A_19, %get3A_20] : memref<1x1xf32, #tpu.memory_space<vmem>>, vector<1x1xf32>
    %gt3A = arith.constant 0 : i32
    %gt3A_22 = vector.broadcast %gt3A : i32 to vector<1x8192xi32>
    %gt3A_23 = arith.cmpi sgt, %get3A_13, %gt3A_22 : vector<1x8192xi32>
    %convert_element_type3A = arith.extui %gt3A_23 : vector<1x8192xi1> to vector<1x8192xi32>
    %convert_element_type3A_24 = arith.sitofp %convert_element_type3A : vector<1x8192xi32> to vector<1x8192xf32>
    %gt3A_25 = arith.constant 0 : i32
    %gt3A_26 = vector.broadcast %gt3A_25 : i32 to vector<1x8192xi32>
    %gt3A_27 = arith.cmpi sgt, %get3A_18, %gt3A_26 : vector<1x8192xi32>
    %convert_element_type3A_28 = arith.extui %gt3A_27 : vector<1x8192xi1> to vector<1x8192xi32>
    %convert_element_type3A_29 = arith.sitofp %convert_element_type3A_28 : vector<1x8192xi32> to vector<1x8192xf32>
    %mul3A = arith.mulf %convert_element_type3A_24, %convert_element_type3A_29 : vector<1x8192xf32>
    %mul3A_30 = vector.broadcast %get3A_21 : vector<1x1xf32> to vector<1x8192xf32>
    %mul3A_31 = arith.mulf %mul3A_30, %mul3A : vector<1x8192xf32>
    %sub3A = arith.constant 1.000000e+00 : f32
    %sub3A_32 = vector.broadcast %sub3A : f32 to vector<1x1xf32>
    %sub3A_33 = arith.subf %sub3A_32, %get3A_21 : vector<1x1xf32>
    %mul3A_34 = vector.broadcast %sub3A_33 : vector<1x1xf32> to vector<1x8192xf32>
    %mul3A_35 = arith.mulf %mul3A_34, %convert_element_type3A_24 : vector<1x8192xf32>
    %add3A = arith.addf %mul3A_31, %mul3A_35 : vector<1x8192xf32>
    %mul3A_36 = vector.broadcast %get3A_21 : vector<1x1xf32> to vector<1x8192xf32>
    %mul3A_37 = arith.mulf %mul3A_36, %mul3A : vector<1x8192xf32>
    %sub3A_38 = arith.constant 1.000000e+00 : f32
    %sub3A_39 = vector.broadcast %sub3A_38 : f32 to vector<1x1xf32>
    %sub3A_40 = arith.subf %sub3A_39, %get3A_21 : vector<1x1xf32>
    %mul3A_41 = vector.broadcast %sub3A_40 : vector<1x1xf32> to vector<1x8192xf32>
    %mul3A_42 = arith.mulf %mul3A_41, %convert_element_type3A_29 : vector<1x8192xf32>
    %add3A_43 = arith.addf %mul3A_37, %mul3A_42 : vector<1x8192xf32>
    %iota3A = tpu.iota {dimensions = array<i32: 0>} : vector<21x8192xi32>
    %reduce_max3A = arith.constant dense<0xFF800000> : vector<8192xf32>
    %reduce_max3A_44 = vector.multi_reduction <maximumf>, %get3A_3, %reduce_max3A [0] : vector<21x8192xf32> to vector<8192xf32>
    %broadcast_in_dim3A = vector.shape_cast %reduce_max3A_44 : vector<8192xf32> to vector<1x8192xf32>
    %sub3A_45 = vector.broadcast %broadcast_in_dim3A : vector<1x8192xf32> to vector<21x8192xf32>
    %sub3A_46 = arith.subf %get3A_3, %sub3A_45 : vector<21x8192xf32>
    %exp3A = math.exp %sub3A_46 : vector<21x8192xf32>
    %reduce_sum3A = arith.constant dense<0.000000e+00> : vector<8192xf32>
    %reduce_sum3A_47 = vector.multi_reduction <add>, %exp3A, %reduce_sum3A [0] : vector<21x8192xf32> to vector<8192xf32>
    %broadcast_in_dim3A_48 = vector.shape_cast %reduce_sum3A_47 : vector<8192xf32> to vector<1x8192xf32>
    %log3A = math.log %broadcast_in_dim3A_48 : vector<1x8192xf32>
    %add3A_49 = arith.addf %broadcast_in_dim3A, %log3A : vector<1x8192xf32>
    %eq3A = vector.broadcast %get3A_13 : vector<1x8192xi32> to vector<21x8192xi32>
    %eq3A_50 = arith.cmpi eq, %iota3A, %eq3A : vector<21x8192xi32>
    %jit3A = arith.constant 0.000000e+00 : f32
    %broadcast_in_dim3A_51 = vector.broadcast %jit3A : f32 to vector<21x8192xf32>
    %select_n3A = arith.select %eq3A_50, %get3A_3, %broadcast_in_dim3A_51 : vector<21x8192xi1>, vector<21x8192xf32>
    %reduce_sum3A_52 = arith.constant dense<0.000000e+00> : vector<8192xf32>
    %reduce_sum3A_53 = vector.multi_reduction <add>, %select_n3A, %reduce_sum3A_52 [0] : vector<21x8192xf32> to vector<8192xf32>
    %broadcast_in_dim3A_54 = vector.shape_cast %reduce_sum3A_53 : vector<8192xf32> to vector<1x8192xf32>
    %sub3A_55 = arith.subf %add3A_49, %broadcast_in_dim3A_54 : vector<1x8192xf32>
    %reduce_max3A_56 = arith.constant dense<0xFF800000> : vector<8192xf32>
    %reduce_max3A_57 = vector.multi_reduction <maximumf>, %get3A_8, %reduce_max3A_56 [0] : vector<21x8192xf32> to vector<8192xf32>
    %broadcast_in_dim3A_58 = vector.shape_cast %reduce_max3A_57 : vector<8192xf32> to vector<1x8192xf32>
    %sub3A_59 = vector.broadcast %broadcast_in_dim3A_58 : vector<1x8192xf32> to vector<21x8192xf32>
    %sub3A_60 = arith.subf %get3A_8, %sub3A_59 : vector<21x8192xf32>
    %exp3A_61 = math.exp %sub3A_60 : vector<21x8192xf32>
    %reduce_sum3A_62 = arith.constant dense<0.000000e+00> : vector<8192xf32>
    %reduce_sum3A_63 = vector.multi_reduction <add>, %exp3A_61, %reduce_sum3A_62 [0] : vector<21x8192xf32> to vector<8192xf32>
    %broadcast_in_dim3A_64 = vector.shape_cast %reduce_sum3A_63 : vector<8192xf32> to vector<1x8192xf32>
    %log3A_65 = math.log %broadcast_in_dim3A_64 : vector<1x8192xf32>
    %add3A_66 = arith.addf %broadcast_in_dim3A_58, %log3A_65 : vector<1x8192xf32>
    %eq3A_67 = vector.broadcast %get3A_18 : vector<1x8192xi32> to vector<21x8192xi32>
    %eq3A_68 = arith.cmpi eq, %iota3A, %eq3A_67 : vector<21x8192xi32>
    %jit3A_69 = arith.constant 0.000000e+00 : f32
    %broadcast_in_dim3A_70 = vector.broadcast %jit3A_69 : f32 to vector<21x8192xf32>
    %select_n3A_71 = arith.select %eq3A_68, %get3A_8, %broadcast_in_dim3A_70 : vector<21x8192xi1>, vector<21x8192xf32>
    %reduce_sum3A_72 = arith.constant dense<0.000000e+00> : vector<8192xf32>
    %reduce_sum3A_73 = vector.multi_reduction <add>, %select_n3A_71, %reduce_sum3A_72 [0] : vector<21x8192xf32> to vector<8192xf32>
    %broadcast_in_dim3A_74 = vector.shape_cast %reduce_sum3A_73 : vector<8192xf32> to vector<1x8192xf32>
    %sub3A_75 = arith.subf %add3A_66, %broadcast_in_dim3A_74 : vector<1x8192xf32>
    %get3A_76 = arith.constant 0 : index
    %get3A_77 = arith.constant 0 : index
    %get3A_78 = arith.constant 0 : index
    %get3A_79 = vector.load %arg4[%get3A_76, %get3A_77, %get3A_78] : memref<1x4x8192xf32, #tpu.memory_space<vmem>>, vector<1x4x8192xf32>
    %get3A_80 = vector.shape_cast %get3A_79 : vector<1x4x8192xf32> to vector<4x8192xf32>
    %get3A_81 = arith.constant 0 : index
    %get3A_82 = arith.constant 0 : index
    %get3A_83 = arith.constant 0 : index
    %get3A_84 = vector.load %arg6[%get3A_81, %get3A_82, %get3A_83] : memref<1x4x8192xf32, #tpu.memory_space<vmem>>, vector<1x4x8192xf32>
    %get3A_85 = vector.shape_cast %get3A_84 : vector<1x4x8192xf32> to vector<4x8192xf32>
    %sub3A_86 = arith.subf %get3A_80, %get3A_85 : vector<4x8192xf32>
    %abs3A = math.absf %sub3A_86 : vector<4x8192xf32>
    %lt3A = arith.constant 1.000000e+00 : f32
    %lt3A_87 = vector.broadcast %lt3A : f32 to vector<4x8192xf32>
    %lt3A_88 = arith.cmpf olt, %abs3A, %lt3A_87 : vector<4x8192xf32>
    %mul3A_89 = arith.constant 5.000000e-01 : f32
    %mul3A_90 = vector.broadcast %mul3A_89 : f32 to vector<4x8192xf32>
    %mul3A_91 = arith.mulf %mul3A_90, %sub3A_86 : vector<4x8192xf32>
    %mul3A_92 = arith.mulf %mul3A_91, %sub3A_86 : vector<4x8192xf32>
    %sub3A_93 = arith.constant 5.000000e-01 : f32
    %sub3A_94 = vector.broadcast %sub3A_93 : f32 to vector<4x8192xf32>
    %sub3A_95 = arith.subf %abs3A, %sub3A_94 : vector<4x8192xf32>
    %select_n3A_96 = arith.select %lt3A_88, %mul3A_92, %sub3A_95 : vector<4x8192xi1>, vector<4x8192xf32>
    %mul3A_97 = vector.broadcast %add3A : vector<1x8192xf32> to vector<4x8192xf32>
    %mul3A_98 = arith.mulf %select_n3A_96, %mul3A_97 : vector<4x8192xf32>
    %reduce_sum3A_99 = vector.shape_cast %mul3A_98 : vector<4x8192xf32> to vector<1x4x8192xf32>
    %reduce_sum3A_100 = arith.constant dense<0.000000e+00> : vector<1xf32>
    %reduce_sum3A_101 = vector.multi_reduction <add>, %reduce_sum3A_99, %reduce_sum3A_100 [1, 2] : vector<1x4x8192xf32> to vector<1xf32>
    %reduce_sum3A_102 = vector.shape_cast %reduce_sum3A_101 : vector<1xf32> to vector<1x1x1xf32>
    %reduce_sum3A_103 = vector.extract %reduce_sum3A_102[0, 0, 0] : f32 from vector<1x1x1xf32>
    %get3A_104 = arith.constant 0 : index
    %get3A_105 = arith.constant 0 : index
    %get3A_106 = arith.constant 0 : index
    %get3A_107 = vector.load %arg5[%get3A_104, %get3A_105, %get3A_106] : memref<1x4x8192xf32, #tpu.memory_space<vmem>>, vector<1x4x8192xf32>
    %get3A_108 = vector.shape_cast %get3A_107 : vector<1x4x8192xf32> to vector<4x8192xf32>
    %get3A_109 = arith.constant 0 : index
    %get3A_110 = arith.constant 0 : index
    %get3A_111 = arith.constant 0 : index
    %get3A_112 = vector.load %arg7[%get3A_109, %get3A_110, %get3A_111] : memref<1x4x8192xf32, #tpu.memory_space<vmem>>, vector<1x4x8192xf32>
    %get3A_113 = vector.shape_cast %get3A_112 : vector<1x4x8192xf32> to vector<4x8192xf32>
    %sub3A_114 = arith.subf %get3A_108, %get3A_113 : vector<4x8192xf32>
    %abs3A_115 = math.absf %sub3A_114 : vector<4x8192xf32>
    %lt3A_116 = arith.constant 1.000000e+00 : f32
    %lt3A_117 = vector.broadcast %lt3A_116 : f32 to vector<4x8192xf32>
    %lt3A_118 = arith.cmpf olt, %abs3A_115, %lt3A_117 : vector<4x8192xf32>
    %mul3A_119 = arith.constant 5.000000e-01 : f32
    %mul3A_120 = vector.broadcast %mul3A_119 : f32 to vector<4x8192xf32>
    %mul3A_121 = arith.mulf %mul3A_120, %sub3A_114 : vector<4x8192xf32>
    %mul3A_122 = arith.mulf %mul3A_121, %sub3A_114 : vector<4x8192xf32>
    %sub3A_123 = arith.constant 5.000000e-01 : f32
    %sub3A_124 = vector.broadcast %sub3A_123 : f32 to vector<4x8192xf32>
    %sub3A_125 = arith.subf %abs3A_115, %sub3A_124 : vector<4x8192xf32>
    %select_n3A_126 = arith.select %lt3A_118, %mul3A_122, %sub3A_125 : vector<4x8192xi1>, vector<4x8192xf32>
    %mul3A_127 = vector.broadcast %add3A_43 : vector<1x8192xf32> to vector<4x8192xf32>
    %mul3A_128 = arith.mulf %select_n3A_126, %mul3A_127 : vector<4x8192xf32>
    %reduce_sum3A_129 = vector.shape_cast %mul3A_128 : vector<4x8192xf32> to vector<1x4x8192xf32>
    %reduce_sum3A_130 = arith.constant dense<0.000000e+00> : vector<1xf32>
    %reduce_sum3A_131 = vector.multi_reduction <add>, %reduce_sum3A_129, %reduce_sum3A_130 [1, 2] : vector<1x4x8192xf32> to vector<1xf32>
    %reduce_sum3A_132 = vector.shape_cast %reduce_sum3A_131 : vector<1xf32> to vector<1x1x1xf32>
    %reduce_sum3A_133 = vector.extract %reduce_sum3A_132[0, 0, 0] : f32 from vector<1x1x1xf32>
    %sub3A_134 = arith.constant 1.000000e+00 : f32
    %sub3A_135 = vector.broadcast %sub3A_134 : f32 to vector<1x8192xf32>
    %sub3A_136 = arith.subf %sub3A_135, %add3A : vector<1x8192xf32>
    %mul3A_137 = arith.mulf %sub3A_55, %sub3A_136 : vector<1x8192xf32>
    %max3A = arith.constant 0.000000e+00 : f32
    %max3A_138 = vector.broadcast %max3A : f32 to vector<1x8192xf32>
    %max3A_139 = arith.maximumf %mul3A_137, %max3A_138 : vector<1x8192xf32>
    %swap3A = arith.constant 0 : index
    %swap3A_140 = arith.constant 0 : index
    %swap3A_141 = arith.constant 0 : index
    %swap3A_142 = vector.load %arg11[%swap3A, %swap3A_140, %swap3A_141] : memref<1x1x8192xf32, #tpu.memory_space<vmem>>, vector<1x1x8192xf32>
    %swap3A_143 = vector.shape_cast %swap3A_142 : vector<1x1x8192xf32> to vector<1x8192xf32>
    %swap3A_144 = vector.shape_cast %max3A_139 : vector<1x8192xf32> to vector<1x1x8192xf32>
    tpu.vector_store %arg11[%swap3A, %swap3A_140, %swap3A_141], %swap3A_144 {strides = array<i32>} : memref<1x1x8192xf32, #tpu.memory_space<vmem>>, vector<1x1x8192xf32>,
    %sub3A_145 = arith.constant 1.000000e+00 : f32
    %sub3A_146 = vector.broadcast %sub3A_145 : f32 to vector<1x8192xf32>
    %sub3A_147 = arith.subf %sub3A_146, %add3A_43 : vector<1x8192xf32>
    %mul3A_148 = arith.mulf %sub3A_75, %sub3A_147 : vector<1x8192xf32>
    %swap3A_149 = arith.constant 0 : index
    %swap3A_150 = arith.constant 0 : index
    %swap3A_151 = arith.constant 0 : index
    %swap3A_152 = vector.load %arg12[%swap3A_149, %swap3A_150, %swap3A_151] : memref<1x1x8192xf32, #tpu.memory_space<vmem>>, vector<1x1x8192xf32>
    %swap3A_153 = vector.shape_cast %swap3A_152 : vector<1x1x8192xf32> to vector<1x8192xf32>
    %swap3A_154 = vector.shape_cast %mul3A_148 : vector<1x8192xf32> to vector<1x1x8192xf32>
    tpu.vector_store %arg12[%swap3A_149, %swap3A_150, %swap3A_151], %swap3A_154 {strides = array<i32>} : memref<1x1x8192xf32, #tpu.memory_space<vmem>>, vector<1x1x8192xf32>,
    %reduce_sum3A_155 = vector.shape_cast %add3A : vector<1x8192xf32> to vector<1x1x8192xf32>
    %reduce_sum3A_156 = arith.constant dense<0.000000e+00> : vector<1xf32>
    %reduce_sum3A_157 = vector.multi_reduction <add>, %reduce_sum3A_155, %reduce_sum3A_156 [1, 2] : vector<1x1x8192xf32> to vector<1xf32>
    %reduce_sum3A_158 = vector.shape_cast %reduce_sum3A_157 : vector<1xf32> to vector<1x1x1xf32>
    %reduce_sum3A_159 = vector.extract %reduce_sum3A_158[0, 0, 0] : f32 from vector<1x1x1xf32>
    %mul3A_160 = arith.mulf %sub3A_55, %add3A : vector<1x8192xf32>
    %reduce_sum3A_161 = vector.shape_cast %mul3A_160 : vector<1x8192xf32> to vector<1x1x8192xf32>
    %reduce_sum3A_162 = arith.constant dense<0.000000e+00> : vector<1xf32>
    %reduce_sum3A_163 = vector.multi_reduction <add>, %reduce_sum3A_161, %reduce_sum3A_162 [1, 2] : vector<1x1x8192xf32> to vector<1xf32>
    %reduce_sum3A_164 = vector.shape_cast %reduce_sum3A_163 : vector<1xf32> to vector<1x1x1xf32>
    %reduce_sum3A_165 = vector.extract %reduce_sum3A_164[0, 0, 0] : f32 from vector<1x1x1xf32>
    %mul3A_166 = arith.mulf %sub3A_75, %add3A_43 : vector<1x8192xf32>
    %reduce_sum3A_167 = vector.shape_cast %mul3A_166 : vector<1x8192xf32> to vector<1x1x8192xf32>
    %reduce_sum3A_168 = arith.constant dense<0.000000e+00> : vector<1xf32>
    %reduce_sum3A_169 = vector.multi_reduction <add>, %reduce_sum3A_167, %reduce_sum3A_168 [1, 2] : vector<1x1x8192xf32> to vector<1xf32>
    %reduce_sum3A_170 = vector.shape_cast %reduce_sum3A_169 : vector<1xf32> to vector<1x1x1xf32>
    %reduce_sum3A_171 = vector.extract %reduce_sum3A_170[0, 0, 0] : f32 from vector<1x1x1xf32>
    %eq3A_172 = arith.constant 0 : i32
    %eq3A_173 = arith.cmpi eq, %arg1, %eq3A_172 : i32
    %convert_element_type3A_174 = arith.extui %eq3A_173 : i1 to i32
    %cond3A = arith.constant 0 : i32
    %cond3A_175 = arith.cmpi ne, %convert_element_type3A_174, %cond3A : i32
    scf.if %cond3A_175 {
      %broadcast_in_dim3A_226 = arith.constant 0.000000e+00 : f32
      %broadcast_in_dim3A_227 = vector.broadcast %broadcast_in_dim3A_226 : f32 to vector<1x1x1xf32>
      %swap3A_228 = arith.constant 0 : index
      %swap3A_229 = arith.constant 0 : index
      %swap3A_230 = arith.constant 0 : index
      %swap3A_231 = vector.load %arg13[%swap3A_228, %swap3A_229, %swap3A_230] : memref<1x1x1xf32, #tpu.memory_space<vmem>>, vector<1x1x1xf32>
      tpu.vector_store %arg13[%swap3A_228, %swap3A_229, %swap3A_230], %broadcast_in_dim3A_227 {strides = array<i32>} : memref<1x1x1xf32, #tpu.memory_space<vmem>>, vector<1x1x1xf32>,
      %swap3A_232 = arith.constant 0 : index
      %swap3A_233 = arith.constant 0 : index
      %swap3A_234 = arith.constant 0 : index
      %swap3A_235 = vector.load %arg14[%swap3A_232, %swap3A_233, %swap3A_234] : memref<1x1x1xf32, #tpu.memory_space<vmem>>, vector<1x1x1xf32>
      tpu.vector_store %arg14[%swap3A_232, %swap3A_233, %swap3A_234], %broadcast_in_dim3A_227 {strides = array<i32>} : memref<1x1x1xf32, #tpu.memory_space<vmem>>, vector<1x1x1xf32>,
      %swap3A_236 = arith.constant 0 : index
      %swap3A_237 = arith.constant 0 : index
      %swap3A_238 = arith.constant 0 : index
      %swap3A_239 = vector.load %arg15[%swap3A_236, %swap3A_237, %swap3A_238] : memref<1x1x1xf32, #tpu.memory_space<vmem>>, vector<1x1x1xf32>
      tpu.vector_store %arg15[%swap3A_236, %swap3A_237, %swap3A_238], %broadcast_in_dim3A_227 {strides = array<i32>} : memref<1x1x1xf32, #tpu.memory_space<vmem>>, vector<1x1x1xf32>,
      %swap3A_240 = arith.constant 0 : index
      %swap3A_241 = arith.constant 0 : index
      %swap3A_242 = arith.constant 0 : index
      %swap3A_243 = vector.load %arg16[%swap3A_240, %swap3A_241, %swap3A_242] : memref<1x1x1xf32, #tpu.memory_space<vmem>>, vector<1x1x1xf32>
      tpu.vector_store %arg16[%swap3A_240, %swap3A_241, %swap3A_242], %broadcast_in_dim3A_227 {strides = array<i32>} : memref<1x1x1xf32, #tpu.memory_space<vmem>>, vector<1x1x1xf32>,
      %swap3A_244 = arith.constant 0 : index
      %swap3A_245 = arith.constant 0 : index
      %swap3A_246 = arith.constant 0 : index
      %swap3A_247 = vector.load %arg17[%swap3A_244, %swap3A_245, %swap3A_246] : memref<1x1x1xf32, #tpu.memory_space<vmem>>, vector<1x1x1xf32>
      tpu.vector_store %arg17[%swap3A_244, %swap3A_245, %swap3A_246], %broadcast_in_dim3A_227 {strides = array<i32>} : memref<1x1x1xf32, #tpu.memory_space<vmem>>, vector<1x1x1xf32>,
    } else {
    }
    %get3A_176 = arith.constant 0 : index
    %get3A_177 = arith.constant 0 : index
    %get3A_178 = arith.constant 0 : index
    %get3A_179 = vector.load %arg13[%get3A_176, %get3A_177, %get3A_178] : memref<1x1x1xf32, #tpu.memory_space<vmem>>, vector<1x1x1xf32>
    %broadcast_in_dim3A_180 = vector.broadcast %reduce_sum3A_159 : f32 to vector<1x1x1xf32>
    %add3A_181 = arith.addf %get3A_179, %broadcast_in_dim3A_180 : vector<1x1x1xf32>
    %swap3A_182 = arith.constant 0 : index
    %swap3A_183 = arith.constant 0 : index
    %swap3A_184 = arith.constant 0 : index
    %swap3A_185 = vector.load %arg13[%swap3A_182, %swap3A_183, %swap3A_184] : memref<1x1x1xf32, #tpu.memory_space<vmem>>, vector<1x1x1xf32>
    tpu.vector_store %arg13[%swap3A_182, %swap3A_183, %swap3A_184], %add3A_181 {strides = array<i32>} : memref<1x1x1xf32, #tpu.memory_space<vmem>>, vector<1x1x1xf32>,
    %get3A_186 = arith.constant 0 : index
    %get3A_187 = arith.constant 0 : index
    %get3A_188 = arith.constant 0 : index
    %get3A_189 = vector.load %arg14[%get3A_186, %get3A_187, %get3A_188] : memref<1x1x1xf32, #tpu.memory_space<vmem>>, vector<1x1x1xf32>
    %broadcast_in_dim3A_190 = vector.broadcast %reduce_sum3A_103 : f32 to vector<1x1x1xf32>
    %add3A_191 = arith.addf %get3A_189, %broadcast_in_dim3A_190 : vector<1x1x1xf32>
    %swap3A_192 = arith.constant 0 : index
    %swap3A_193 = arith.constant 0 : index
    %swap3A_194 = arith.constant 0 : index
    %swap3A_195 = vector.load %arg14[%swap3A_192, %swap3A_193, %swap3A_194] : memref<1x1x1xf32, #tpu.memory_space<vmem>>, vector<1x1x1xf32>
    tpu.vector_store %arg14[%swap3A_192, %swap3A_193, %swap3A_194], %add3A_191 {strides = array<i32>} : memref<1x1x1xf32, #tpu.memory_space<vmem>>, vector<1x1x1xf32>,
    %get3A_196 = arith.constant 0 : index
    %get3A_197 = arith.constant 0 : index
    %get3A_198 = arith.constant 0 : index
    %get3A_199 = vector.load %arg15[%get3A_196, %get3A_197, %get3A_198] : memref<1x1x1xf32, #tpu.memory_space<vmem>>, vector<1x1x1xf32>
    %broadcast_in_dim3A_200 = vector.broadcast %reduce_sum3A_133 : f32 to vector<1x1x1xf32>
    %add3A_201 = arith.addf %get3A_199, %broadcast_in_dim3A_200 : vector<1x1x1xf32>
    %swap3A_202 = arith.constant 0 : index
    %swap3A_203 = arith.constant 0 : index
    %swap3A_204 = arith.constant 0 : index
    %swap3A_205 = vector.load %arg15[%swap3A_202, %swap3A_203, %swap3A_204] : memref<1x1x1xf32, #tpu.memory_space<vmem>>, vector<1x1x1xf32>
    tpu.vector_store %arg15[%swap3A_202, %swap3A_203, %swap3A_204], %add3A_201 {strides = array<i32>} : memref<1x1x1xf32, #tpu.memory_space<vmem>>, vector<1x1x1xf32>,
    %get3A_206 = arith.constant 0 : index
    %get3A_207 = arith.constant 0 : index
    %get3A_208 = arith.constant 0 : index
    %get3A_209 = vector.load %arg16[%get3A_206, %get3A_207, %get3A_208] : memref<1x1x1xf32, #tpu.memory_space<vmem>>, vector<1x1x1xf32>
    %broadcast_in_dim3A_210 = vector.broadcast %reduce_sum3A_165 : f32 to vector<1x1x1xf32>
    %add3A_211 = arith.addf %get3A_209, %broadcast_in_dim3A_210 : vector<1x1x1xf32>
    %swap3A_212 = arith.constant 0 : index
    %swap3A_213 = arith.constant 0 : index
    %swap3A_214 = arith.constant 0 : index
    %swap3A_215 = vector.load %arg16[%swap3A_212, %swap3A_213, %swap3A_214] : memref<1x1x1xf32, #tpu.memory_space<vmem>>, vector<1x1x1xf32>
    tpu.vector_store %arg16[%swap3A_212, %swap3A_213, %swap3A_214], %add3A_211 {strides = array<i32>} : memref<1x1x1xf32, #tpu.memory_space<vmem>>, vector<1x1x1xf32>,
    %get3A_216 = arith.constant 0 : index
    %get3A_217 = arith.constant 0 : index
    %get3A_218 = arith.constant 0 : index
    %get3A_219 = vector.load %arg17[%get3A_216, %get3A_217, %get3A_218] : memref<1x1x1xf32, #tpu.memory_space<vmem>>, vector<1x1x1xf32>
    %broadcast_in_dim3A_220 = vector.broadcast %reduce_sum3A_171 : f32 to vector<1x1x1xf32>
    %add3A_221 = arith.addf %get3A_219, %broadcast_in_dim3A_220 : vector<1x1x1xf32>
    %swap3A_222 = arith.constant 0 : index
    %swap3A_223 = arith.constant 0 : index
    %swap3A_224 = arith.constant 0 : index
    %swap3A_225 = vector.load %arg17[%swap3A_222, %swap3A_223, %swap3A_224] : memref<1x1x1xf32, #tpu.memory_space<vmem>>, vector<1x1x1xf32>
    tpu.vector_store %arg17[%swap3A_222, %swap3A_223, %swap3A_224], %add3A_221 {strides = array<i32>} : memref<1x1x1xf32, #tpu.memory_space<vmem>>, vector<1x1x1xf32>,
    return
  }
  func.func @transform_0(%arg0: i32, %arg1: i32) -> (i32, i32, i32) {
    %c0_i32 = arith.constant 0 : i32
    %c0_i32_0 = arith.constant 0 : i32
    return %arg0, %c0_i32, %arg1 : i32, i32, i32
  }
  func.func @transform_1(%arg0: i32, %arg1: i32) -> (i32, i32, i32) {
    %c0_i32 = arith.constant 0 : i32
    %c0_i32_0 = arith.constant 0 : i32
    return %arg0, %c0_i32, %arg1 : i32, i32, i32
  }
  func.func @transform_2(%arg0: i32, %arg1: i32) -> (i32, i32, i32) {
    %c0_i32 = arith.constant 0 : i32
    %c0_i32_0 = arith.constant 0 : i32
    return %arg0, %c0_i32, %arg1 : i32, i32, i32
  }
  func.func @transform_3(%arg0: i32, %arg1: i32) -> (i32, i32, i32) {
    %c0_i32 = arith.constant 0 : i32
    %c0_i32_0 = arith.constant 0 : i32
    return %arg0, %c0_i32, %arg1 : i32, i32, i32
  }
  func.func @transform_4(%arg0: i32, %arg1: i32) -> (i32, i32, i32) {
    %c0_i32 = arith.constant 0 : i32
    %c0_i32_0 = arith.constant 0 : i32
    return %arg0, %c0_i32, %arg1 : i32, i32, i32
  }
  func.func @transform_5(%arg0: i32, %arg1: i32) -> (i32, i32, i32) {
    %c0_i32 = arith.constant 0 : i32
    %c0_i32_0 = arith.constant 0 : i32
    return %arg0, %c0_i32, %arg1 : i32, i32, i32
  }
  func.func @transform_6(%arg0: i32, %arg1: i32) -> (i32, i32, i32) {
    %c0_i32 = arith.constant 0 : i32
    %c0_i32_0 = arith.constant 0 : i32
    return %arg0, %c0_i32, %arg1 : i32, i32, i32
  }
  func.func @transform_7(%arg0: i32, %arg1: i32) -> (i32, i32, i32) {
    %c0_i32 = arith.constant 0 : i32
    %c0_i32_0 = arith.constant 0 : i32
    return %arg0, %c0_i32, %arg1 : i32, i32, i32
  }
  func.func @transform_8(%arg0: i32, %arg1: i32) -> (i32, i32) {
    %c0_i32 = arith.constant 0 : i32
    %c0_i32_0 = arith.constant 0 : i32
    %c0_i32_1 = arith.constant 0 : i32
    return %c0_i32, %c0_i32_0 : i32, i32
  }
  func.func @transform_9(%arg0: i32, %arg1: i32) -> (i32, i32, i32) {
    %c0_i32 = arith.constant 0 : i32
    %c0_i32_0 = arith.constant 0 : i32
    return %arg0, %c0_i32, %arg1 : i32, i32, i32
  }
  func.func @transform_10(%arg0: i32, %arg1: i32) -> (i32, i32, i32) {
    %c0_i32 = arith.constant 0 : i32
    %c0_i32_0 = arith.constant 0 : i32
    return %arg0, %c0_i32, %arg1 : i32, i32, i32
  }
  func.func @transform_11(%arg0: i32, %arg1: i32) -> (i32, i32, i32) {
    %c0_i32 = arith.constant 0 : i32
    %c0_i32_0 = arith.constant 0 : i32
    %c0_i32_1 = arith.constant 0 : i32
    return %arg0, %c0_i32, %c0_i32_0 : i32, i32, i32
  }
  func.func @transform_12(%arg0: i32, %arg1: i32) -> (i32, i32, i32) {
    %c0_i32 = arith.constant 0 : i32
    %c0_i32_0 = arith.constant 0 : i32
    %c0_i32_1 = arith.constant 0 : i32
    return %arg0, %c0_i32, %c0_i32_0 : i32, i32, i32
  }
  func.func @transform_13(%arg0: i32, %arg1: i32) -> (i32, i32, i32) {
    %c0_i32 = arith.constant 0 : i32
    %c0_i32_0 = arith.constant 0 : i32
    %c0_i32_1 = arith.constant 0 : i32
    return %arg0, %c0_i32, %c0_i32_0 : i32, i32, i32
  }
  func.func @transform_14(%arg0: i32, %arg1: i32) -> (i32, i32, i32) {
    %c0_i32 = arith.constant 0 : i32
    %c0_i32_0 = arith.constant 0 : i32
    %c0_i32_1 = arith.constant 0 : i32
    return %arg0, %c0_i32, %c0_i32_0 : i32, i32, i32
  }
  func.func @transform_15(%arg0: i32, %arg1: i32) -> (i32, i32, i32) {
    %c0_i32 = arith.constant 0 : i32
    %c0_i32_0 = arith.constant 0 : i32
    %c0_i32_1 = arith.constant 0 : i32
    return %arg0, %c0_i32, %c0_i32_0 : i32, i32, i32
  }
}

module attributes {stable_mosaic.version = 14 : i64} {
  func.func @_match_body(%arg0: i32, %arg1: memref<1x16x5xf32, #tpu.memory_space<vmem>>, %arg2: memref<1x16x5xf32, #tpu.memory_space<vmem>>, %arg3: memref<4x24576xf32, #tpu.memory_space<vmem>>, %arg4: memref<1x4x24576xf32, #tpu.memory_space<vmem>>, %arg5: memref<1x1x24576xi32, #tpu.memory_space<vmem>>, %arg6: memref<1x4x24576xf32, #tpu.memory_space<vmem>>, %arg7: memref<1x1x24576xi32, #tpu.memory_space<vmem>>, %arg8: memref<1x1xf32, #tpu.memory_space<vmem>>) attributes {dimension_semantics = [#tpu.dimension_semantics<arbitrary>], iteration_bounds = array<i64: 8>, scalar_prefetch = 0 : i64, scratch_operands = 0 : i64, tpu.core_type = #tpu.core_type<tc>, window_params = [{transform_indices = @transform_0, window_bounds = array<i64: 1, 16, 5>}, {transform_indices = @transform_1, window_bounds = array<i64: 1, 16, 5>}, {pipeline_mode = #tpu.pipeline_mode<synchronous>, transform_indices = @transform_2, window_bounds = array<i64: 4, 24576>}, {transform_indices = @transform_3, window_bounds = array<i64: 1, 4, 24576>}, {transform_indices = @transform_4, window_bounds = array<i64: 1, 1, 24576>}, {transform_indices = @transform_5, window_bounds = array<i64: 1, 4, 24576>}, {transform_indices = @transform_6, window_bounds = array<i64: 1, 1, 24576>}, {pipeline_mode = #tpu.pipeline_mode<synchronous>, transform_indices = @transform_7, window_bounds = array<i64: 1, 1>}]} {
    %get3A = arith.constant 0 : index
    %get3A_0 = arith.constant 0 : index
    %get3A_1 = vector.load %arg3[%get3A, %get3A_0] : memref<4x24576xf32, #tpu.memory_space<vmem>>, vector<4x24576xf32>
    %slice3A = vector.extract_strided_slice %get3A_1 {offsets = [0, 0], sizes = [1, 24576], strides = [1, 1]} : vector<4x24576xf32> to vector<1x24576xf32>
    %slice3A_2 = vector.extract_strided_slice %get3A_1 {offsets = [1, 0], sizes = [1, 24576], strides = [1, 1]} : vector<4x24576xf32> to vector<1x24576xf32>
    %slice3A_3 = vector.extract_strided_slice %get3A_1 {offsets = [2, 0], sizes = [1, 24576], strides = [1, 1]} : vector<4x24576xf32> to vector<1x24576xf32>
    %slice3A_4 = vector.extract_strided_slice %get3A_1 {offsets = [3, 0], sizes = [1, 24576], strides = [1, 1]} : vector<4x24576xf32> to vector<1x24576xf32>
    %mul3A = arith.constant 5.000000e-01 : f32
    %mul3A_5 = vector.broadcast %mul3A : f32 to vector<1x24576xf32>
    %mul3A_6 = arith.mulf %slice3A_3, %mul3A_5 : vector<1x24576xf32>
    %sub3A = arith.subf %slice3A, %mul3A_6 : vector<1x24576xf32>
    %mul3A_7 = arith.constant 5.000000e-01 : f32
    %mul3A_8 = vector.broadcast %mul3A_7 : f32 to vector<1x24576xf32>
    %mul3A_9 = arith.mulf %slice3A_4, %mul3A_8 : vector<1x24576xf32>
    %sub3A_10 = arith.subf %slice3A_2, %mul3A_9 : vector<1x24576xf32>
    %mul3A_11 = arith.constant 5.000000e-01 : f32
    %mul3A_12 = vector.broadcast %mul3A_11 : f32 to vector<1x24576xf32>
    %mul3A_13 = arith.mulf %slice3A_3, %mul3A_12 : vector<1x24576xf32>
    %add3A = arith.addf %slice3A, %mul3A_13 : vector<1x24576xf32>
    %mul3A_14 = arith.constant 5.000000e-01 : f32
    %mul3A_15 = vector.broadcast %mul3A_14 : f32 to vector<1x24576xf32>
    %mul3A_16 = arith.mulf %slice3A_4, %mul3A_15 : vector<1x24576xf32>
    %add3A_17 = arith.addf %slice3A_2, %mul3A_16 : vector<1x24576xf32>
    %mul3A_18 = arith.mulf %slice3A_3, %slice3A_4 : vector<1x24576xf32>
    %get3A_19 = arith.constant 0 : index
    %get3A_20 = arith.constant 0 : index
    %get3A_21 = arith.constant 0 : index
    %get3A_22 = vector.load %arg1[%get3A_19, %get3A_20, %get3A_21] : memref<1x16x5xf32, #tpu.memory_space<vmem>>, vector<1x16x5xf32>
    %get3A_23 = vector.shape_cast %get3A_22 : vector<1x16x5xf32> to vector<16x5xf32>
    %slice3A_24 = vector.extract_strided_slice %get3A_23 {offsets = [0, 0], sizes = [16, 1], strides = [1, 1]} : vector<16x5xf32> to vector<16x1xf32>
    %slice3A_25 = vector.extract_strided_slice %get3A_23 {offsets = [0, 1], sizes = [16, 1], strides = [1, 1]} : vector<16x5xf32> to vector<16x1xf32>
    %slice3A_26 = vector.extract_strided_slice %get3A_23 {offsets = [0, 2], sizes = [16, 1], strides = [1, 1]} : vector<16x5xf32> to vector<16x1xf32>
    %slice3A_27 = vector.extract_strided_slice %get3A_23 {offsets = [0, 3], sizes = [16, 1], strides = [1, 1]} : vector<16x5xf32> to vector<16x1xf32>
    %slice3A_28 = vector.extract_strided_slice %get3A_23 {offsets = [0, 4], sizes = [16, 1], strides = [1, 1]} : vector<16x5xf32> to vector<16x1xf32>
    %min3A = vector.broadcast %add3A : vector<1x24576xf32> to vector<16x24576xf32>
    %min3A_29 = vector.broadcast %slice3A_26 : vector<16x1xf32> to vector<16x24576xf32>
    %min3A_30 = arith.minimumf %min3A, %min3A_29 : vector<16x24576xf32>
    %max3A = vector.broadcast %sub3A : vector<1x24576xf32> to vector<16x24576xf32>
    %max3A_31 = vector.broadcast %slice3A_24 : vector<16x1xf32> to vector<16x24576xf32>
    %max3A_32 = arith.maximumf %max3A, %max3A_31 : vector<16x24576xf32>
    %sub3A_33 = arith.subf %min3A_30, %max3A_32 : vector<16x24576xf32>
    %max3A_34 = arith.constant 0.000000e+00 : f32
    %max3A_35 = vector.broadcast %max3A_34 : f32 to vector<16x24576xf32>
    %max3A_36 = arith.maximumf %sub3A_33, %max3A_35 : vector<16x24576xf32>
    %min3A_37 = vector.broadcast %add3A_17 : vector<1x24576xf32> to vector<16x24576xf32>
    %min3A_38 = vector.broadcast %slice3A_27 : vector<16x1xf32> to vector<16x24576xf32>
    %min3A_39 = arith.minimumf %min3A_37, %min3A_38 : vector<16x24576xf32>
    %max3A_40 = vector.broadcast %sub3A_10 : vector<1x24576xf32> to vector<16x24576xf32>
    %max3A_41 = vector.broadcast %slice3A_25 : vector<16x1xf32> to vector<16x24576xf32>
    %max3A_42 = arith.maximumf %max3A_40, %max3A_41 : vector<16x24576xf32>
    %sub3A_43 = arith.subf %min3A_39, %max3A_42 : vector<16x24576xf32>
    %max3A_44 = arith.constant 0.000000e+00 : f32
    %max3A_45 = vector.broadcast %max3A_44 : f32 to vector<16x24576xf32>
    %max3A_46 = arith.maximumf %sub3A_43, %max3A_45 : vector<16x24576xf32>
    %mul3A_47 = arith.mulf %max3A_36, %max3A_46 : vector<16x24576xf32>
    %sub3A_48 = arith.subf %slice3A_26, %slice3A_24 : vector<16x1xf32>
    %sub3A_49 = arith.subf %slice3A_27, %slice3A_25 : vector<16x1xf32>
    %mul3A_50 = arith.mulf %sub3A_48, %sub3A_49 : vector<16x1xf32>
    %add3A_51 = vector.broadcast %mul3A_50 : vector<16x1xf32> to vector<16x24576xf32>
    %add3A_52 = vector.broadcast %mul3A_18 : vector<1x24576xf32> to vector<16x24576xf32>
    %add3A_53 = arith.addf %add3A_51, %add3A_52 : vector<16x24576xf32>
    %sub3A_54 = arith.subf %add3A_53, %mul3A_47 : vector<16x24576xf32>
    %div3A = arith.divf %mul3A_47, %sub3A_54 : vector<16x24576xf32>
    %iota3A = tpu.iota {dimensions = array<i32: 0>} : vector<16x24576xi32>
    %iota3A_55 = tpu.iota {dimensions = array<i32: 1>} : vector<16x24576xi32>
    %reduce_max3A = arith.constant dense<0xFF800000> : vector<24576xf32>
    %reduce_max3A_56 = vector.multi_reduction <maximumf>, %div3A, %reduce_max3A [0] : vector<16x24576xf32> to vector<24576xf32>
    %broadcast_in_dim3A = vector.shape_cast %reduce_max3A_56 : vector<24576xf32> to vector<1x24576xf32>
    %eq3A = vector.broadcast %broadcast_in_dim3A : vector<1x24576xf32> to vector<16x24576xf32>
    %eq3A_57 = arith.cmpf oeq, %div3A, %eq3A : vector<16x24576xf32>
    %jit3A = arith.constant 16 : i32
    %broadcast_in_dim3A_58 = vector.broadcast %jit3A : i32 to vector<16x24576xi32>
    %select_n3A = arith.select %eq3A_57, %iota3A, %broadcast_in_dim3A_58 : vector<16x24576xi1>, vector<16x24576xi32>
    %reduce_min3A = arith.constant dense<2147483647> : vector<24576xi32>
    %reduce_min3A_59 = vector.multi_reduction <minsi>, %select_n3A, %reduce_min3A [0] : vector<16x24576xi32> to vector<24576xi32>
    %broadcast_in_dim3A_60 = vector.shape_cast %reduce_min3A_59 : vector<24576xi32> to vector<1x24576xi32>
    %reduce_max3A_61 = arith.constant dense<0xFF800000> : vector<16xf32>
    %reduce_max3A_62 = vector.multi_reduction <maximumf>, %div3A, %reduce_max3A_61 [1] : vector<16x24576xf32> to vector<16xf32>
    %broadcast_in_dim3A_63 = vector.shape_cast %reduce_max3A_62 : vector<16xf32> to vector<16x1xf32>
    %eq3A_64 = vector.broadcast %broadcast_in_dim3A_63 : vector<16x1xf32> to vector<16x24576xf32>
    %eq3A_65 = arith.cmpf oeq, %div3A, %eq3A_64 : vector<16x24576xf32>
    %jit3A_66 = arith.constant 24576 : i32
    %broadcast_in_dim3A_67 = vector.broadcast %jit3A_66 : i32 to vector<16x24576xi32>
    %select_n3A_68 = arith.select %eq3A_65, %iota3A_55, %broadcast_in_dim3A_67 : vector<16x24576xi1>, vector<16x24576xi32>
    %reduce_min3A_69 = arith.constant dense<2147483647> : vector<16xi32>
    %reduce_min3A_70 = vector.multi_reduction <minsi>, %select_n3A_68, %reduce_min3A_69 [1] : vector<16x24576xi32> to vector<16xi32>
    %broadcast_in_dim3A_71 = vector.shape_cast %reduce_min3A_70 : vector<16xi32> to vector<16x1xi32>
    %eq3A_72 = vector.broadcast %broadcast_in_dim3A_71 : vector<16x1xi32> to vector<16x24576xi32>
    %eq3A_73 = arith.cmpi eq, %iota3A_55, %eq3A_72 : vector<16x24576xi32>
    %convert_element_type3A = arith.extui %eq3A_73 : vector<16x24576xi1> to vector<16x24576xi32>
    %reduce_max3A_74 = arith.constant dense<-2147483648> : vector<24576xi32>
    %reduce_max3A_75 = vector.multi_reduction <maxsi>, %convert_element_type3A, %reduce_max3A_74 [0] : vector<16x24576xi32> to vector<24576xi32>
    %broadcast_in_dim3A_76 = vector.shape_cast %reduce_max3A_75 : vector<24576xi32> to vector<1x24576xi32>
    %gt3A = arith.constant 0 : i32
    %gt3A_77 = vector.broadcast %gt3A : i32 to vector<1x24576xi32>
    %gt3A_78 = arith.cmpi sgt, %broadcast_in_dim3A_76, %gt3A_77 : vector<1x24576xi32>
    %jit3A_79 = arith.constant -1 : i32
    %broadcast_in_dim3A_80 = vector.broadcast %jit3A_79 : i32 to vector<16x24576xi32>
    %select_n3A_81 = arith.select %eq3A_73, %iota3A, %broadcast_in_dim3A_80 : vector<16x24576xi1>, vector<16x24576xi32>
    %reduce_max3A_82 = arith.constant dense<-2147483648> : vector<24576xi32>
    %reduce_max3A_83 = vector.multi_reduction <maxsi>, %select_n3A_81, %reduce_max3A_82 [0] : vector<16x24576xi32> to vector<24576xi32>
    %broadcast_in_dim3A_84 = vector.shape_cast %reduce_max3A_83 : vector<24576xi32> to vector<1x24576xi32>
    %jit3A_85 = arith.constant 2.000000e+00 : f32
    %broadcast_in_dim3A_86 = vector.broadcast %jit3A_85 : f32 to vector<1x24576xf32>
    %select_n3A_87 = arith.select %gt3A_78, %broadcast_in_dim3A_86, %broadcast_in_dim3A : vector<1x24576xi1>, vector<1x24576xf32>
    %select_n3A_88 = arith.select %gt3A_78, %broadcast_in_dim3A_84, %broadcast_in_dim3A_60 : vector<1x24576xi1>, vector<1x24576xi32>
    %eq3A_89 = vector.broadcast %select_n3A_88 : vector<1x24576xi32> to vector<16x24576xi32>
    %eq3A_90 = arith.cmpi eq, %iota3A, %eq3A_89 : vector<16x24576xi32>
    %convert_element_type3A_91 = arith.extui %eq3A_90 : vector<16x24576xi1> to vector<16x24576xi32>
    %convert_element_type3A_92 = arith.sitofp %convert_element_type3A_91 : vector<16x24576xi32> to vector<16x24576xf32>
    %mul3A_93 = vector.broadcast %slice3A_24 : vector<16x1xf32> to vector<16x24576xf32>
    %mul3A_94 = arith.mulf %convert_element_type3A_92, %mul3A_93 : vector<16x24576xf32>
    %reduce_sum3A = arith.constant dense<0.000000e+00> : vector<24576xf32>
    %reduce_sum3A_95 = vector.multi_reduction <add>, %mul3A_94, %reduce_sum3A [0] : vector<16x24576xf32> to vector<24576xf32>
    %broadcast_in_dim3A_96 = vector.shape_cast %reduce_sum3A_95 : vector<24576xf32> to vector<1x24576xf32>
    %mul3A_97 = vector.broadcast %slice3A_25 : vector<16x1xf32> to vector<16x24576xf32>
    %mul3A_98 = arith.mulf %convert_element_type3A_92, %mul3A_97 : vector<16x24576xf32>
    %reduce_sum3A_99 = arith.constant dense<0.000000e+00> : vector<24576xf32>
    %reduce_sum3A_100 = vector.multi_reduction <add>, %mul3A_98, %reduce_sum3A_99 [0] : vector<16x24576xf32> to vector<24576xf32>
    %broadcast_in_dim3A_101 = vector.shape_cast %reduce_sum3A_100 : vector<24576xf32> to vector<1x24576xf32>
    %mul3A_102 = vector.broadcast %slice3A_26 : vector<16x1xf32> to vector<16x24576xf32>
    %mul3A_103 = arith.mulf %convert_element_type3A_92, %mul3A_102 : vector<16x24576xf32>
    %reduce_sum3A_104 = arith.constant dense<0.000000e+00> : vector<24576xf32>
    %reduce_sum3A_105 = vector.multi_reduction <add>, %mul3A_103, %reduce_sum3A_104 [0] : vector<16x24576xf32> to vector<24576xf32>
    %broadcast_in_dim3A_106 = vector.shape_cast %reduce_sum3A_105 : vector<24576xf32> to vector<1x24576xf32>
    %mul3A_107 = vector.broadcast %slice3A_27 : vector<16x1xf32> to vector<16x24576xf32>
    %mul3A_108 = arith.mulf %convert_element_type3A_92, %mul3A_107 : vector<16x24576xf32>
    %reduce_sum3A_109 = arith.constant dense<0.000000e+00> : vector<24576xf32>
    %reduce_sum3A_110 = vector.multi_reduction <add>, %mul3A_108, %reduce_sum3A_109 [0] : vector<16x24576xf32> to vector<24576xf32>
    %broadcast_in_dim3A_111 = vector.shape_cast %reduce_sum3A_110 : vector<24576xf32> to vector<1x24576xf32>
    %mul3A_112 = vector.broadcast %slice3A_28 : vector<16x1xf32> to vector<16x24576xf32>
    %mul3A_113 = arith.mulf %convert_element_type3A_92, %mul3A_112 : vector<16x24576xf32>
    %reduce_sum3A_114 = arith.constant dense<0.000000e+00> : vector<24576xf32>
    %reduce_sum3A_115 = vector.multi_reduction <add>, %mul3A_113, %reduce_sum3A_114 [0] : vector<16x24576xf32> to vector<24576xf32>
    %broadcast_in_dim3A_116 = vector.shape_cast %reduce_sum3A_115 : vector<24576xf32> to vector<1x24576xf32>
    %convert_element_type3A_117 = arith.fptosi %broadcast_in_dim3A_116 : vector<1x24576xf32> to vector<1x24576xi32>
    %add3A_118 = arith.constant 1 : i32
    %add3A_119 = vector.broadcast %add3A_118 : i32 to vector<1x24576xi32>
    %add3A_120 = arith.addi %convert_element_type3A_117, %add3A_119 : vector<1x24576xi32>
    %lt3A = arith.constant 5.000000e-01 : f32
    %lt3A_121 = vector.broadcast %lt3A : f32 to vector<1x24576xf32>
    %lt3A_122 = arith.cmpf olt, %select_n3A_87, %lt3A_121 : vector<1x24576xf32>
    %jit3A_123 = arith.constant 0 : i32
    %broadcast_in_dim3A_124 = vector.broadcast %jit3A_123 : i32 to vector<1x24576xi32>
    %select_n3A_125 = arith.select %lt3A_122, %broadcast_in_dim3A_124, %add3A_120 : vector<1x24576xi1>, vector<1x24576xi32>
    %add3A_126 = arith.addf %broadcast_in_dim3A_96, %broadcast_in_dim3A_106 : vector<1x24576xf32>
    %mul3A_127 = arith.constant 5.000000e-01 : f32
    %mul3A_128 = vector.broadcast %mul3A_127 : f32 to vector<1x24576xf32>
    %mul3A_129 = arith.mulf %add3A_126, %mul3A_128 : vector<1x24576xf32>
    %sub3A_130 = arith.subf %mul3A_129, %slice3A : vector<1x24576xf32>
    %mul3A_131 = arith.constant 1.000000e-01 : f32
    %mul3A_132 = vector.broadcast %mul3A_131 : f32 to vector<1x24576xf32>
    %mul3A_133 = arith.mulf %mul3A_132, %slice3A_3 : vector<1x24576xf32>
    %div3A_134 = arith.divf %sub3A_130, %mul3A_133 : vector<1x24576xf32>
    %add3A_135 = arith.addf %broadcast_in_dim3A_101, %broadcast_in_dim3A_111 : vector<1x24576xf32>
    %mul3A_136 = arith.constant 5.000000e-01 : f32
    %mul3A_137 = vector.broadcast %mul3A_136 : f32 to vector<1x24576xf32>
    %mul3A_138 = arith.mulf %add3A_135, %mul3A_137 : vector<1x24576xf32>
    %sub3A_139 = arith.subf %mul3A_138, %slice3A_2 : vector<1x24576xf32>
    %mul3A_140 = arith.constant 1.000000e-01 : f32
    %mul3A_141 = vector.broadcast %mul3A_140 : f32 to vector<1x24576xf32>
    %mul3A_142 = arith.mulf %mul3A_141, %slice3A_4 : vector<1x24576xf32>
    %div3A_143 = arith.divf %sub3A_139, %mul3A_142 : vector<1x24576xf32>
    %sub3A_144 = arith.subf %broadcast_in_dim3A_106, %broadcast_in_dim3A_96 : vector<1x24576xf32>
    %div3A_145 = arith.divf %sub3A_144, %slice3A_3 : vector<1x24576xf32>
    %log3A = math.log %div3A_145 : vector<1x24576xf32>
    %div3A_146 = arith.constant 2.000000e-01 : f32
    %div3A_147 = vector.broadcast %div3A_146 : f32 to vector<1x24576xf32>
    %div3A_148 = arith.divf %log3A, %div3A_147 : vector<1x24576xf32>
    %sub3A_149 = arith.subf %broadcast_in_dim3A_111, %broadcast_in_dim3A_101 : vector<1x24576xf32>
    %div3A_150 = arith.divf %sub3A_149, %slice3A_4 : vector<1x24576xf32>
    %log3A_151 = math.log %div3A_150 : vector<1x24576xf32>
    %div3A_152 = arith.constant 2.000000e-01 : f32
    %div3A_153 = vector.broadcast %div3A_152 : f32 to vector<1x24576xf32>
    %div3A_154 = arith.divf %log3A_151, %div3A_153 : vector<1x24576xf32>
    %concatenate3A = tpu.concatenate %div3A_134, %div3A_143, %div3A_148, %div3A_154 in 0 : vector<1x24576xf32>, vector<1x24576xf32>, vector<1x24576xf32>, vector<1x24576xf32> -> vector<4x24576xf32>
    %get3A_155 = arith.constant 0 : index
    %get3A_156 = arith.constant 0 : index
    %get3A_157 = arith.constant 0 : index
    %get3A_158 = vector.load %arg2[%get3A_155, %get3A_156, %get3A_157] : memref<1x16x5xf32, #tpu.memory_space<vmem>>, vector<1x16x5xf32>
    %get3A_159 = vector.shape_cast %get3A_158 : vector<1x16x5xf32> to vector<16x5xf32>
    %slice3A_160 = vector.extract_strided_slice %get3A_159 {offsets = [0, 0], sizes = [16, 1], strides = [1, 1]} : vector<16x5xf32> to vector<16x1xf32>
    %slice3A_161 = vector.extract_strided_slice %get3A_159 {offsets = [0, 1], sizes = [16, 1], strides = [1, 1]} : vector<16x5xf32> to vector<16x1xf32>
    %slice3A_162 = vector.extract_strided_slice %get3A_159 {offsets = [0, 2], sizes = [16, 1], strides = [1, 1]} : vector<16x5xf32> to vector<16x1xf32>
    %slice3A_163 = vector.extract_strided_slice %get3A_159 {offsets = [0, 3], sizes = [16, 1], strides = [1, 1]} : vector<16x5xf32> to vector<16x1xf32>
    %slice3A_164 = vector.extract_strided_slice %get3A_159 {offsets = [0, 4], sizes = [16, 1], strides = [1, 1]} : vector<16x5xf32> to vector<16x1xf32>
    %min3A_165 = vector.broadcast %add3A : vector<1x24576xf32> to vector<16x24576xf32>
    %min3A_166 = vector.broadcast %slice3A_162 : vector<16x1xf32> to vector<16x24576xf32>
    %min3A_167 = arith.minimumf %min3A_165, %min3A_166 : vector<16x24576xf32>
    %max3A_168 = vector.broadcast %sub3A : vector<1x24576xf32> to vector<16x24576xf32>
    %max3A_169 = vector.broadcast %slice3A_160 : vector<16x1xf32> to vector<16x24576xf32>
    %max3A_170 = arith.maximumf %max3A_168, %max3A_169 : vector<16x24576xf32>
    %sub3A_171 = arith.subf %min3A_167, %max3A_170 : vector<16x24576xf32>
    %max3A_172 = arith.constant 0.000000e+00 : f32
    %max3A_173 = vector.broadcast %max3A_172 : f32 to vector<16x24576xf32>
    %max3A_174 = arith.maximumf %sub3A_171, %max3A_173 : vector<16x24576xf32>
    %min3A_175 = vector.broadcast %add3A_17 : vector<1x24576xf32> to vector<16x24576xf32>
    %min3A_176 = vector.broadcast %slice3A_163 : vector<16x1xf32> to vector<16x24576xf32>
    %min3A_177 = arith.minimumf %min3A_175, %min3A_176 : vector<16x24576xf32>
    %max3A_178 = vector.broadcast %sub3A_10 : vector<1x24576xf32> to vector<16x24576xf32>
    %max3A_179 = vector.broadcast %slice3A_161 : vector<16x1xf32> to vector<16x24576xf32>
    %max3A_180 = arith.maximumf %max3A_178, %max3A_179 : vector<16x24576xf32>
    %sub3A_181 = arith.subf %min3A_177, %max3A_180 : vector<16x24576xf32>
    %max3A_182 = arith.constant 0.000000e+00 : f32
    %max3A_183 = vector.broadcast %max3A_182 : f32 to vector<16x24576xf32>
    %max3A_184 = arith.maximumf %sub3A_181, %max3A_183 : vector<16x24576xf32>
    %mul3A_185 = arith.mulf %max3A_174, %max3A_184 : vector<16x24576xf32>
    %sub3A_186 = arith.subf %slice3A_162, %slice3A_160 : vector<16x1xf32>
    %sub3A_187 = arith.subf %slice3A_163, %slice3A_161 : vector<16x1xf32>
    %mul3A_188 = arith.mulf %sub3A_186, %sub3A_187 : vector<16x1xf32>
    %add3A_189 = vector.broadcast %mul3A_188 : vector<16x1xf32> to vector<16x24576xf32>
    %add3A_190 = vector.broadcast %mul3A_18 : vector<1x24576xf32> to vector<16x24576xf32>
    %add3A_191 = arith.addf %add3A_189, %add3A_190 : vector<16x24576xf32>
    %sub3A_192 = arith.subf %add3A_191, %mul3A_185 : vector<16x24576xf32>
    %div3A_193 = arith.divf %mul3A_185, %sub3A_192 : vector<16x24576xf32>
    %iota3A_194 = tpu.iota {dimensions = array<i32: 0>} : vector<16x24576xi32>
    %iota3A_195 = tpu.iota {dimensions = array<i32: 1>} : vector<16x24576xi32>
    %reduce_max3A_196 = arith.constant dense<0xFF800000> : vector<24576xf32>
    %reduce_max3A_197 = vector.multi_reduction <maximumf>, %div3A_193, %reduce_max3A_196 [0] : vector<16x24576xf32> to vector<24576xf32>
    %broadcast_in_dim3A_198 = vector.shape_cast %reduce_max3A_197 : vector<24576xf32> to vector<1x24576xf32>
    %eq3A_199 = vector.broadcast %broadcast_in_dim3A_198 : vector<1x24576xf32> to vector<16x24576xf32>
    %eq3A_200 = arith.cmpf oeq, %div3A_193, %eq3A_199 : vector<16x24576xf32>
    %jit3A_201 = arith.constant 16 : i32
    %broadcast_in_dim3A_202 = vector.broadcast %jit3A_201 : i32 to vector<16x24576xi32>
    %select_n3A_203 = arith.select %eq3A_200, %iota3A_194, %broadcast_in_dim3A_202 : vector<16x24576xi1>, vector<16x24576xi32>
    %reduce_min3A_204 = arith.constant dense<2147483647> : vector<24576xi32>
    %reduce_min3A_205 = vector.multi_reduction <minsi>, %select_n3A_203, %reduce_min3A_204 [0] : vector<16x24576xi32> to vector<24576xi32>
    %broadcast_in_dim3A_206 = vector.shape_cast %reduce_min3A_205 : vector<24576xi32> to vector<1x24576xi32>
    %reduce_max3A_207 = arith.constant dense<0xFF800000> : vector<16xf32>
    %reduce_max3A_208 = vector.multi_reduction <maximumf>, %div3A_193, %reduce_max3A_207 [1] : vector<16x24576xf32> to vector<16xf32>
    %broadcast_in_dim3A_209 = vector.shape_cast %reduce_max3A_208 : vector<16xf32> to vector<16x1xf32>
    %eq3A_210 = vector.broadcast %broadcast_in_dim3A_209 : vector<16x1xf32> to vector<16x24576xf32>
    %eq3A_211 = arith.cmpf oeq, %div3A_193, %eq3A_210 : vector<16x24576xf32>
    %jit3A_212 = arith.constant 24576 : i32
    %broadcast_in_dim3A_213 = vector.broadcast %jit3A_212 : i32 to vector<16x24576xi32>
    %select_n3A_214 = arith.select %eq3A_211, %iota3A_195, %broadcast_in_dim3A_213 : vector<16x24576xi1>, vector<16x24576xi32>
    %reduce_min3A_215 = arith.constant dense<2147483647> : vector<16xi32>
    %reduce_min3A_216 = vector.multi_reduction <minsi>, %select_n3A_214, %reduce_min3A_215 [1] : vector<16x24576xi32> to vector<16xi32>
    %broadcast_in_dim3A_217 = vector.shape_cast %reduce_min3A_216 : vector<16xi32> to vector<16x1xi32>
    %eq3A_218 = vector.broadcast %broadcast_in_dim3A_217 : vector<16x1xi32> to vector<16x24576xi32>
    %eq3A_219 = arith.cmpi eq, %iota3A_195, %eq3A_218 : vector<16x24576xi32>
    %convert_element_type3A_220 = arith.extui %eq3A_219 : vector<16x24576xi1> to vector<16x24576xi32>
    %reduce_max3A_221 = arith.constant dense<-2147483648> : vector<24576xi32>
    %reduce_max3A_222 = vector.multi_reduction <maxsi>, %convert_element_type3A_220, %reduce_max3A_221 [0] : vector<16x24576xi32> to vector<24576xi32>
    %broadcast_in_dim3A_223 = vector.shape_cast %reduce_max3A_222 : vector<24576xi32> to vector<1x24576xi32>
    %gt3A_224 = arith.constant 0 : i32
    %gt3A_225 = vector.broadcast %gt3A_224 : i32 to vector<1x24576xi32>
    %gt3A_226 = arith.cmpi sgt, %broadcast_in_dim3A_223, %gt3A_225 : vector<1x24576xi32>
    %jit3A_227 = arith.constant -1 : i32
    %broadcast_in_dim3A_228 = vector.broadcast %jit3A_227 : i32 to vector<16x24576xi32>
    %select_n3A_229 = arith.select %eq3A_219, %iota3A_194, %broadcast_in_dim3A_228 : vector<16x24576xi1>, vector<16x24576xi32>
    %reduce_max3A_230 = arith.constant dense<-2147483648> : vector<24576xi32>
    %reduce_max3A_231 = vector.multi_reduction <maxsi>, %select_n3A_229, %reduce_max3A_230 [0] : vector<16x24576xi32> to vector<24576xi32>
    %broadcast_in_dim3A_232 = vector.shape_cast %reduce_max3A_231 : vector<24576xi32> to vector<1x24576xi32>
    %jit3A_233 = arith.constant 2.000000e+00 : f32
    %broadcast_in_dim3A_234 = vector.broadcast %jit3A_233 : f32 to vector<1x24576xf32>
    %select_n3A_235 = arith.select %gt3A_226, %broadcast_in_dim3A_234, %broadcast_in_dim3A_198 : vector<1x24576xi1>, vector<1x24576xf32>
    %select_n3A_236 = arith.select %gt3A_226, %broadcast_in_dim3A_232, %broadcast_in_dim3A_206 : vector<1x24576xi1>, vector<1x24576xi32>
    %eq3A_237 = vector.broadcast %select_n3A_236 : vector<1x24576xi32> to vector<16x24576xi32>
    %eq3A_238 = arith.cmpi eq, %iota3A_194, %eq3A_237 : vector<16x24576xi32>
    %convert_element_type3A_239 = arith.extui %eq3A_238 : vector<16x24576xi1> to vector<16x24576xi32>
    %convert_element_type3A_240 = arith.sitofp %convert_element_type3A_239 : vector<16x24576xi32> to vector<16x24576xf32>
    %mul3A_241 = vector.broadcast %slice3A_160 : vector<16x1xf32> to vector<16x24576xf32>
    %mul3A_242 = arith.mulf %convert_element_type3A_240, %mul3A_241 : vector<16x24576xf32>
    %reduce_sum3A_243 = arith.constant dense<0.000000e+00> : vector<24576xf32>
    %reduce_sum3A_244 = vector.multi_reduction <add>, %mul3A_242, %reduce_sum3A_243 [0] : vector<16x24576xf32> to vector<24576xf32>
    %broadcast_in_dim3A_245 = vector.shape_cast %reduce_sum3A_244 : vector<24576xf32> to vector<1x24576xf32>
    %mul3A_246 = vector.broadcast %slice3A_161 : vector<16x1xf32> to vector<16x24576xf32>
    %mul3A_247 = arith.mulf %convert_element_type3A_240, %mul3A_246 : vector<16x24576xf32>
    %reduce_sum3A_248 = arith.constant dense<0.000000e+00> : vector<24576xf32>
    %reduce_sum3A_249 = vector.multi_reduction <add>, %mul3A_247, %reduce_sum3A_248 [0] : vector<16x24576xf32> to vector<24576xf32>
    %broadcast_in_dim3A_250 = vector.shape_cast %reduce_sum3A_249 : vector<24576xf32> to vector<1x24576xf32>
    %mul3A_251 = vector.broadcast %slice3A_162 : vector<16x1xf32> to vector<16x24576xf32>
    %mul3A_252 = arith.mulf %convert_element_type3A_240, %mul3A_251 : vector<16x24576xf32>
    %reduce_sum3A_253 = arith.constant dense<0.000000e+00> : vector<24576xf32>
    %reduce_sum3A_254 = vector.multi_reduction <add>, %mul3A_252, %reduce_sum3A_253 [0] : vector<16x24576xf32> to vector<24576xf32>
    %broadcast_in_dim3A_255 = vector.shape_cast %reduce_sum3A_254 : vector<24576xf32> to vector<1x24576xf32>
    %mul3A_256 = vector.broadcast %slice3A_163 : vector<16x1xf32> to vector<16x24576xf32>
    %mul3A_257 = arith.mulf %convert_element_type3A_240, %mul3A_256 : vector<16x24576xf32>
    %reduce_sum3A_258 = arith.constant dense<0.000000e+00> : vector<24576xf32>
    %reduce_sum3A_259 = vector.multi_reduction <add>, %mul3A_257, %reduce_sum3A_258 [0] : vector<16x24576xf32> to vector<24576xf32>
    %broadcast_in_dim3A_260 = vector.shape_cast %reduce_sum3A_259 : vector<24576xf32> to vector<1x24576xf32>
    %mul3A_261 = vector.broadcast %slice3A_164 : vector<16x1xf32> to vector<16x24576xf32>
    %mul3A_262 = arith.mulf %convert_element_type3A_240, %mul3A_261 : vector<16x24576xf32>
    %reduce_sum3A_263 = arith.constant dense<0.000000e+00> : vector<24576xf32>
    %reduce_sum3A_264 = vector.multi_reduction <add>, %mul3A_262, %reduce_sum3A_263 [0] : vector<16x24576xf32> to vector<24576xf32>
    %broadcast_in_dim3A_265 = vector.shape_cast %reduce_sum3A_264 : vector<24576xf32> to vector<1x24576xf32>
    %convert_element_type3A_266 = arith.fptosi %broadcast_in_dim3A_265 : vector<1x24576xf32> to vector<1x24576xi32>
    %add3A_267 = arith.constant 1 : i32
    %add3A_268 = vector.broadcast %add3A_267 : i32 to vector<1x24576xi32>
    %add3A_269 = arith.addi %convert_element_type3A_266, %add3A_268 : vector<1x24576xi32>
    %lt3A_270 = arith.constant 5.000000e-01 : f32
    %lt3A_271 = vector.broadcast %lt3A_270 : f32 to vector<1x24576xf32>
    %lt3A_272 = arith.cmpf olt, %select_n3A_235, %lt3A_271 : vector<1x24576xf32>
    %jit3A_273 = arith.constant 0 : i32
    %broadcast_in_dim3A_274 = vector.broadcast %jit3A_273 : i32 to vector<1x24576xi32>
    %select_n3A_275 = arith.select %lt3A_272, %broadcast_in_dim3A_274, %add3A_269 : vector<1x24576xi1>, vector<1x24576xi32>
    %add3A_276 = arith.addf %broadcast_in_dim3A_245, %broadcast_in_dim3A_255 : vector<1x24576xf32>
    %mul3A_277 = arith.constant 5.000000e-01 : f32
    %mul3A_278 = vector.broadcast %mul3A_277 : f32 to vector<1x24576xf32>
    %mul3A_279 = arith.mulf %add3A_276, %mul3A_278 : vector<1x24576xf32>
    %sub3A_280 = arith.subf %mul3A_279, %slice3A : vector<1x24576xf32>
    %mul3A_281 = arith.constant 1.000000e-01 : f32
    %mul3A_282 = vector.broadcast %mul3A_281 : f32 to vector<1x24576xf32>
    %mul3A_283 = arith.mulf %mul3A_282, %slice3A_3 : vector<1x24576xf32>
    %div3A_284 = arith.divf %sub3A_280, %mul3A_283 : vector<1x24576xf32>
    %add3A_285 = arith.addf %broadcast_in_dim3A_250, %broadcast_in_dim3A_260 : vector<1x24576xf32>
    %mul3A_286 = arith.constant 5.000000e-01 : f32
    %mul3A_287 = vector.broadcast %mul3A_286 : f32 to vector<1x24576xf32>
    %mul3A_288 = arith.mulf %add3A_285, %mul3A_287 : vector<1x24576xf32>
    %sub3A_289 = arith.subf %mul3A_288, %slice3A_2 : vector<1x24576xf32>
    %mul3A_290 = arith.constant 1.000000e-01 : f32
    %mul3A_291 = vector.broadcast %mul3A_290 : f32 to vector<1x24576xf32>
    %mul3A_292 = arith.mulf %mul3A_291, %slice3A_4 : vector<1x24576xf32>
    %div3A_293 = arith.divf %sub3A_289, %mul3A_292 : vector<1x24576xf32>
    %sub3A_294 = arith.subf %broadcast_in_dim3A_255, %broadcast_in_dim3A_245 : vector<1x24576xf32>
    %div3A_295 = arith.divf %sub3A_294, %slice3A_3 : vector<1x24576xf32>
    %log3A_296 = math.log %div3A_295 : vector<1x24576xf32>
    %div3A_297 = arith.constant 2.000000e-01 : f32
    %div3A_298 = vector.broadcast %div3A_297 : f32 to vector<1x24576xf32>
    %div3A_299 = arith.divf %log3A_296, %div3A_298 : vector<1x24576xf32>
    %sub3A_300 = arith.subf %broadcast_in_dim3A_260, %broadcast_in_dim3A_250 : vector<1x24576xf32>
    %div3A_301 = arith.divf %sub3A_300, %slice3A_4 : vector<1x24576xf32>
    %log3A_302 = math.log %div3A_301 : vector<1x24576xf32>
    %div3A_303 = arith.constant 2.000000e-01 : f32
    %div3A_304 = vector.broadcast %div3A_303 : f32 to vector<1x24576xf32>
    %div3A_305 = arith.divf %log3A_302, %div3A_304 : vector<1x24576xf32>
    %concatenate3A_306 = tpu.concatenate %div3A_284, %div3A_293, %div3A_299, %div3A_305 in 0 : vector<1x24576xf32>, vector<1x24576xf32>, vector<1x24576xf32>, vector<1x24576xf32> -> vector<4x24576xf32>
    %swap3A = arith.constant 0 : index
    %swap3A_307 = arith.constant 0 : index
    %swap3A_308 = arith.constant 0 : index
    %swap3A_309 = vector.load %arg4[%swap3A, %swap3A_307, %swap3A_308] : memref<1x4x24576xf32, #tpu.memory_space<vmem>>, vector<1x4x24576xf32>
    %swap3A_310 = vector.shape_cast %swap3A_309 : vector<1x4x24576xf32> to vector<4x24576xf32>
    %swap3A_311 = vector.shape_cast %concatenate3A : vector<4x24576xf32> to vector<1x4x24576xf32>
    tpu.vector_store %arg4[%swap3A, %swap3A_307, %swap3A_308], %swap3A_311 {strides = array<i32>} : memref<1x4x24576xf32, #tpu.memory_space<vmem>>, vector<1x4x24576xf32>,
    %swap3A_312 = arith.constant 0 : index
    %swap3A_313 = arith.constant 0 : index
    %swap3A_314 = arith.constant 0 : index
    %swap3A_315 = vector.load %arg5[%swap3A_312, %swap3A_313, %swap3A_314] : memref<1x1x24576xi32, #tpu.memory_space<vmem>>, vector<1x1x24576xi32>
    %swap3A_316 = vector.shape_cast %swap3A_315 : vector<1x1x24576xi32> to vector<1x24576xi32>
    %swap3A_317 = vector.shape_cast %select_n3A_125 : vector<1x24576xi32> to vector<1x1x24576xi32>
    tpu.vector_store %arg5[%swap3A_312, %swap3A_313, %swap3A_314], %swap3A_317 {strides = array<i32>} : memref<1x1x24576xi32, #tpu.memory_space<vmem>>, vector<1x1x24576xi32>,
    %swap3A_318 = arith.constant 0 : index
    %swap3A_319 = arith.constant 0 : index
    %swap3A_320 = arith.constant 0 : index
    %swap3A_321 = vector.load %arg6[%swap3A_318, %swap3A_319, %swap3A_320] : memref<1x4x24576xf32, #tpu.memory_space<vmem>>, vector<1x4x24576xf32>
    %swap3A_322 = vector.shape_cast %swap3A_321 : vector<1x4x24576xf32> to vector<4x24576xf32>
    %swap3A_323 = vector.shape_cast %concatenate3A_306 : vector<4x24576xf32> to vector<1x4x24576xf32>
    tpu.vector_store %arg6[%swap3A_318, %swap3A_319, %swap3A_320], %swap3A_323 {strides = array<i32>} : memref<1x4x24576xf32, #tpu.memory_space<vmem>>, vector<1x4x24576xf32>,
    %swap3A_324 = arith.constant 0 : index
    %swap3A_325 = arith.constant 0 : index
    %swap3A_326 = arith.constant 0 : index
    %swap3A_327 = vector.load %arg7[%swap3A_324, %swap3A_325, %swap3A_326] : memref<1x1x24576xi32, #tpu.memory_space<vmem>>, vector<1x1x24576xi32>
    %swap3A_328 = vector.shape_cast %swap3A_327 : vector<1x1x24576xi32> to vector<1x24576xi32>
    %swap3A_329 = vector.shape_cast %select_n3A_275 : vector<1x24576xi32> to vector<1x1x24576xi32>
    tpu.vector_store %arg7[%swap3A_324, %swap3A_325, %swap3A_326], %swap3A_329 {strides = array<i32>} : memref<1x1x24576xi32, #tpu.memory_space<vmem>>, vector<1x1x24576xi32>,
    %gt3A_330 = arith.constant 0 : i32
    %gt3A_331 = vector.broadcast %gt3A_330 : i32 to vector<1x24576xi32>
    %gt3A_332 = arith.cmpi sgt, %select_n3A_125, %gt3A_331 : vector<1x24576xi32>
    %gt3A_333 = arith.constant 0 : i32
    %gt3A_334 = vector.broadcast %gt3A_333 : i32 to vector<1x24576xi32>
    %gt3A_335 = arith.cmpi sgt, %select_n3A_275, %gt3A_334 : vector<1x24576xi32>
    %and3A = arith.andi %gt3A_332, %gt3A_335 : vector<1x24576xi1>
    %convert_element_type3A_336 = arith.extui %and3A : vector<1x24576xi1> to vector<1x24576xi32>
    %convert_element_type3A_337 = arith.sitofp %convert_element_type3A_336 : vector<1x24576xi32> to vector<1x24576xf32>
    %reduce_max3A_338 = arith.constant dense<0xFF800000> : vector<1xf32>
    %reduce_max3A_339 = vector.multi_reduction <maximumf>, %convert_element_type3A_337, %reduce_max3A_338 [1] : vector<1x24576xf32> to vector<1xf32>
    %broadcast_in_dim3A_340 = vector.shape_cast %reduce_max3A_339 : vector<1xf32> to vector<1x1xf32>
    %eq3A_341 = arith.constant 0 : i32
    %eq3A_342 = arith.cmpi eq, %arg0, %eq3A_341 : i32
    %convert_element_type3A_343 = arith.extui %eq3A_342 : i1 to i32
    %cond3A = arith.constant 0 : i32
    %cond3A_344 = arith.cmpi ne, %convert_element_type3A_343, %cond3A : i32
    scf.if %cond3A_344 {
      %broadcast_in_dim3A_352 = arith.constant 0.000000e+00 : f32
      %broadcast_in_dim3A_353 = vector.broadcast %broadcast_in_dim3A_352 : f32 to vector<1x1xf32>
      %swap3A_354 = arith.constant 0 : index
      %swap3A_355 = arith.constant 0 : index
      %swap3A_356 = vector.load %arg8[%swap3A_354, %swap3A_355] : memref<1x1xf32, #tpu.memory_space<vmem>>, vector<1x1xf32>
      tpu.vector_store %arg8[%swap3A_354, %swap3A_355], %broadcast_in_dim3A_353 {strides = array<i32>} : memref<1x1xf32, #tpu.memory_space<vmem>>, vector<1x1xf32>,
    } else {
    }
    %get3A_345 = arith.constant 0 : index
    %get3A_346 = arith.constant 0 : index
    %get3A_347 = vector.load %arg8[%get3A_345, %get3A_346] : memref<1x1xf32, #tpu.memory_space<vmem>>, vector<1x1xf32>
    %max3A_348 = arith.maximumf %get3A_347, %broadcast_in_dim3A_340 : vector<1x1xf32>
    %swap3A_349 = arith.constant 0 : index
    %swap3A_350 = arith.constant 0 : index
    %swap3A_351 = vector.load %arg8[%swap3A_349, %swap3A_350] : memref<1x1xf32, #tpu.memory_space<vmem>>, vector<1x1xf32>
    tpu.vector_store %arg8[%swap3A_349, %swap3A_350], %max3A_348 {strides = array<i32>} : memref<1x1xf32, #tpu.memory_space<vmem>>, vector<1x1xf32>,
    return
  }
  func.func @transform_0(%arg0: i32) -> (i32, i32, i32) {
    %c0_i32 = arith.constant 0 : i32
    %c0_i32_0 = arith.constant 0 : i32
    %c0_i32_1 = arith.constant 0 : i32
    return %arg0, %c0_i32, %c0_i32_0 : i32, i32, i32
  }
  func.func @transform_1(%arg0: i32) -> (i32, i32, i32) {
    %c0_i32 = arith.constant 0 : i32
    %c0_i32_0 = arith.constant 0 : i32
    %c0_i32_1 = arith.constant 0 : i32
    return %arg0, %c0_i32, %c0_i32_0 : i32, i32, i32
  }
  func.func @transform_2(%arg0: i32) -> (i32, i32) {
    %c0_i32 = arith.constant 0 : i32
    %c0_i32_0 = arith.constant 0 : i32
    %c0_i32_1 = arith.constant 0 : i32
    return %c0_i32, %c0_i32_0 : i32, i32
  }
  func.func @transform_3(%arg0: i32) -> (i32, i32, i32) {
    %c0_i32 = arith.constant 0 : i32
    %c0_i32_0 = arith.constant 0 : i32
    %c0_i32_1 = arith.constant 0 : i32
    return %arg0, %c0_i32, %c0_i32_0 : i32, i32, i32
  }
  func.func @transform_4(%arg0: i32) -> (i32, i32, i32) {
    %c0_i32 = arith.constant 0 : i32
    %c0_i32_0 = arith.constant 0 : i32
    %c0_i32_1 = arith.constant 0 : i32
    return %arg0, %c0_i32, %c0_i32_0 : i32, i32, i32
  }
  func.func @transform_5(%arg0: i32) -> (i32, i32, i32) {
    %c0_i32 = arith.constant 0 : i32
    %c0_i32_0 = arith.constant 0 : i32
    %c0_i32_1 = arith.constant 0 : i32
    return %arg0, %c0_i32, %c0_i32_0 : i32, i32, i32
  }
  func.func @transform_6(%arg0: i32) -> (i32, i32, i32) {
    %c0_i32 = arith.constant 0 : i32
    %c0_i32_0 = arith.constant 0 : i32
    %c0_i32_1 = arith.constant 0 : i32
    return %arg0, %c0_i32, %c0_i32_0 : i32, i32, i32
  }
  func.func @transform_7(%arg0: i32) -> (i32, i32) {
    %c0_i32 = arith.constant 0 : i32
    %c0_i32_0 = arith.constant 0 : i32
    %c0_i32_1 = arith.constant 0 : i32
    return %c0_i32, %c0_i32_0 : i32, i32
  }
}

module attributes {stable_mosaic.version = 14 : i64} {
  func.func @_loss_b2_body(%arg0: i32, %arg1: memref<1x1x24576xf32, #tpu.memory_space<vmem>>, %arg2: memref<1x1x24576xf32, #tpu.memory_space<vmem>>, %arg3: memref<1x1x1xf32, #tpu.memory_space<vmem>>, %arg4: memref<1x1x1xf32, #tpu.memory_space<vmem>>, %arg5: memref<1x1x1xf32, #tpu.memory_space<vmem>>) attributes {dimension_semantics = [#tpu.dimension_semantics<arbitrary>], iteration_bounds = array<i64: 8>, scalar_prefetch = 0 : i64, scratch_operands = 0 : i64, tpu.core_type = #tpu.core_type<tc>, window_params = [{transform_indices = @transform_0, window_bounds = array<i64: 1, 1, 24576>}, {transform_indices = @transform_1, window_bounds = array<i64: 1, 1, 24576>}, {transform_indices = @transform_2, window_bounds = array<i64: 1, 1, 1>}, {transform_indices = @transform_3, window_bounds = array<i64: 1, 1, 1>}, {transform_indices = @transform_4, window_bounds = array<i64: 1, 1, 1>}]} {
    %get3A = arith.constant 0 : index
    %get3A_0 = arith.constant 0 : index
    %get3A_1 = arith.constant 0 : index
    %get3A_2 = vector.load %arg1[%get3A, %get3A_0, %get3A_1] : memref<1x1x24576xf32, #tpu.memory_space<vmem>>, vector<1x1x24576xf32>
    %get3A_3 = vector.shape_cast %get3A_2 : vector<1x1x24576xf32> to vector<1x24576xf32>
    %get3A_4 = arith.constant 0 : index
    %get3A_5 = arith.constant 0 : index
    %get3A_6 = arith.constant 0 : index
    %get3A_7 = vector.load %arg2[%get3A_4, %get3A_5, %get3A_6] : memref<1x1x24576xf32, #tpu.memory_space<vmem>>, vector<1x1x24576xf32>
    %get3A_8 = vector.shape_cast %get3A_7 : vector<1x1x24576xf32> to vector<1x24576xf32>
    %get3A_9 = arith.constant 0 : index
    %get3A_10 = arith.constant 0 : index
    %get3A_11 = arith.constant 0 : index
    %get3A_12 = vector.load %arg3[%get3A_9, %get3A_10, %get3A_11] : memref<1x1x1xf32, #tpu.memory_space<vmem>>, vector<1x1x1xf32>
    %reduce_sum3A = vector.shape_cast %get3A_12 : vector<1x1x1xf32> to vector<1x1x1x1xf32>
    %reduce_sum3A_13 = arith.constant dense<0.000000e+00> : vector<1xf32>
    %reduce_sum3A_14 = vector.multi_reduction <add>, %reduce_sum3A, %reduce_sum3A_13 [1, 2, 3] : vector<1x1x1x1xf32> to vector<1xf32>
    %reduce_sum3A_15 = vector.shape_cast %reduce_sum3A_14 : vector<1xf32> to vector<1x1x1x1xf32>
    %reduce_sum3A_16 = vector.extract %reduce_sum3A_15[0, 0, 0, 0] : f32 from vector<1x1x1x1xf32>
    %convert_element_type3A = arith.fptosi %reduce_sum3A_16 : f32 to i32
    %mul3A = arith.constant 3 : i32
    %mul3A_17 = arith.muli %mul3A, %convert_element_type3A : i32
    %min3A = arith.constant 24575 : i32
    %min3A_18 = arith.minsi %mul3A_17, %min3A : i32
    %bitcast_convert_type3A = tpu.bitcast %get3A_3 : vector<1x24576xf32> -> vector<1x24576xi32>
    %scan3A = arith.constant 0 : i32
    %scan3A_19 = arith.constant 2139095040 : i32
    %scan3A_20 = arith.constant 0 : i32
    %scan3A_21 = arith.constant 31 : i32
    %scan3A_22 = arith.addi %scan3A_20, %scan3A_21 : i32
    %scan3A_23 = arith.constant 1 : i32
    %scan3A_24:2 = scf.for %scan3A_66 = %scan3A_20 to %scan3A_22 step %scan3A_23 iter_args(%scan3A_67 = %scan3A, %scan3A_68 = %scan3A_19) -> (i32, i32)  : i32 {
      %sub3A_69 = arith.subi %scan3A_68, %scan3A_67 : i32
      %jit3A_70 = arith.constant 2 : i32
      %div3A = arith.divsi %sub3A_69, %jit3A_70 : i32
      %sign3A = arith.constant 0 : i32
      %sign3A_71 = arith.cmpi sgt, %sub3A_69, %sign3A : i32
      %sign3A_72 = arith.extui %sign3A_71 : i1 to i32
      %sign3A_73 = arith.constant 0 : i32
      %sign3A_74 = arith.cmpi slt, %sub3A_69, %sign3A_73 : i32
      %sign3A_75 = arith.extui %sign3A_74 : i1 to i32
      %sign3A_76 = arith.subi %sign3A_72, %sign3A_75 : i32
      %sign3A_77 = arith.constant 0 : i32
      %sign3A_78 = arith.cmpi sgt, %jit3A_70, %sign3A_77 : i32
      %sign3A_79 = arith.extui %sign3A_78 : i1 to i32
      %sign3A_80 = arith.constant 0 : i32
      %sign3A_81 = arith.cmpi slt, %jit3A_70, %sign3A_80 : i32
      %sign3A_82 = arith.extui %sign3A_81 : i1 to i32
      %sign3A_83 = arith.subi %sign3A_79, %sign3A_82 : i32
      %ne3A = arith.cmpi ne, %sign3A_76, %sign3A_83 : i32
      %rem3A = arith.remsi %sub3A_69, %jit3A_70 : i32
      %ne3A_84 = arith.constant 0 : i32
      %ne3A_85 = arith.cmpi ne, %rem3A, %ne3A_84 : i32
      %and3A_86 = arith.andi %ne3A, %ne3A_85 : i1
      %sub3A_87 = arith.constant 1 : i32
      %sub3A_88 = arith.subi %div3A, %sub3A_87 : i32
      %select_n3A_89 = arith.select %and3A_86, %sub3A_88, %div3A : i32
      %add3A_90 = arith.addi %scan3A_67, %select_n3A_89 : i32
      %gt3A_91 = vector.broadcast %add3A_90 : i32 to vector<1x24576xi32>
      %gt3A_92 = arith.cmpi sgt, %bitcast_convert_type3A, %gt3A_91 : vector<1x24576xi32>
      %convert_element_type3A_93 = arith.extui %gt3A_92 : vector<1x24576xi1> to vector<1x24576xi32>
      %reduce_sum3A_94 = vector.shape_cast %convert_element_type3A_93 : vector<1x24576xi32> to vector<1x1x24576xi32>
      %reduce_sum3A_95 = arith.constant dense<0> : vector<1xi32>
      %reduce_sum3A_96 = vector.multi_reduction <add>, %reduce_sum3A_94, %reduce_sum3A_95 [1, 2] : vector<1x1x24576xi32> to vector<1xi32>
      %reduce_sum3A_97 = vector.shape_cast %reduce_sum3A_96 : vector<1xi32> to vector<1x1x1xi32>
      %reduce_sum3A_98 = vector.extract %reduce_sum3A_97[0, 0, 0] : i32 from vector<1x1x1xi32>
      %ge3A = arith.cmpi sge, %reduce_sum3A_98, %min3A_18 : i32
      %add3A_99 = arith.constant 1 : i32
      %add3A_100 = arith.addi %add3A_90, %add3A_99 : i32
      %select_n3A_101 = arith.select %ge3A, %add3A_100, %scan3A_67 : i32
      %select_n3A_102 = arith.select %ge3A, %scan3A_68, %add3A_90 : i32
      scf.yield %select_n3A_101, %select_n3A_102 : i32, i32
    }
    %bitcast_convert_type3A_25 = arith.bitcast %scan3A_24#0 : i32 to f32
    %gt3A = vector.broadcast %scan3A_24#0 : i32 to vector<1x24576xi32>
    %gt3A_26 = arith.cmpi sgt, %bitcast_convert_type3A, %gt3A : vector<1x24576xi32>
    %convert_element_type3A_27 = arith.extui %gt3A_26 : vector<1x24576xi1> to vector<1x24576xi32>
    %reduce_sum3A_28 = vector.shape_cast %convert_element_type3A_27 : vector<1x24576xi32> to vector<1x1x24576xi32>
    %reduce_sum3A_29 = arith.constant dense<0> : vector<1xi32>
    %reduce_sum3A_30 = vector.multi_reduction <add>, %reduce_sum3A_28, %reduce_sum3A_29 [1, 2] : vector<1x1x24576xi32> to vector<1xi32>
    %reduce_sum3A_31 = vector.shape_cast %reduce_sum3A_30 : vector<1xi32> to vector<1x1x1xi32>
    %reduce_sum3A_32 = vector.extract %reduce_sum3A_31[0, 0, 0] : i32 from vector<1x1x1xi32>
    %sub3A = arith.subi %min3A_18, %reduce_sum3A_32 : i32
    %jit3A = arith.constant 0.000000e+00 : f32
    %broadcast_in_dim3A = vector.broadcast %jit3A : f32 to vector<1x24576xf32>
    %select_n3A = arith.select %gt3A_26, %get3A_3, %broadcast_in_dim3A : vector<1x24576xi1>, vector<1x24576xf32>
    %reduce_sum3A_33 = vector.shape_cast %select_n3A : vector<1x24576xf32> to vector<1x1x24576xf32>
    %reduce_sum3A_34 = arith.constant dense<0.000000e+00> : vector<1xf32>
    %reduce_sum3A_35 = vector.multi_reduction <add>, %reduce_sum3A_33, %reduce_sum3A_34 [1, 2] : vector<1x1x24576xf32> to vector<1xf32>
    %reduce_sum3A_36 = vector.shape_cast %reduce_sum3A_35 : vector<1xf32> to vector<1x1x1xf32>
    %reduce_sum3A_37 = vector.extract %reduce_sum3A_36[0, 0, 0] : f32 from vector<1x1x1xf32>
    %convert_element_type3A_38 = arith.sitofp %sub3A : i32 to f32
    %mul3A_39 = arith.mulf %convert_element_type3A_38, %bitcast_convert_type3A_25 : f32
    %add3A = arith.addf %reduce_sum3A_37, %mul3A_39 : f32
    %eq3A = vector.broadcast %scan3A_24#0 : i32 to vector<1x24576xi32>
    %eq3A_40 = arith.cmpi eq, %bitcast_convert_type3A, %eq3A : vector<1x24576xi32>
    %iota3A = tpu.iota {dimensions = array<i32: 1>} : vector<1x24576xi32>
    %scan3A_41 = arith.constant 0 : i32
    %scan3A_42 = arith.constant 24576 : i32
    %scan3A_43 = arith.constant 0 : i32
    %scan3A_44 = arith.constant 16 : i32
    %scan3A_45 = arith.addi %scan3A_43, %scan3A_44 : i32
    %scan3A_46 = arith.constant 1 : i32
    %scan3A_47:2 = scf.for %scan3A_66 = %scan3A_43 to %scan3A_45 step %scan3A_46 iter_args(%scan3A_67 = %scan3A_41, %scan3A_68 = %scan3A_42) -> (i32, i32)  : i32 {
      %sub3A_69 = arith.subi %scan3A_68, %scan3A_67 : i32
      %jit3A_70 = arith.constant 2 : i32
      %div3A = arith.divsi %sub3A_69, %jit3A_70 : i32
      %sign3A = arith.constant 0 : i32
      %sign3A_71 = arith.cmpi sgt, %sub3A_69, %sign3A : i32
      %sign3A_72 = arith.extui %sign3A_71 : i1 to i32
      %sign3A_73 = arith.constant 0 : i32
      %sign3A_74 = arith.cmpi slt, %sub3A_69, %sign3A_73 : i32
      %sign3A_75 = arith.extui %sign3A_74 : i1 to i32
      %sign3A_76 = arith.subi %sign3A_72, %sign3A_75 : i32
      %sign3A_77 = arith.constant 0 : i32
      %sign3A_78 = arith.cmpi sgt, %jit3A_70, %sign3A_77 : i32
      %sign3A_79 = arith.extui %sign3A_78 : i1 to i32
      %sign3A_80 = arith.constant 0 : i32
      %sign3A_81 = arith.cmpi slt, %jit3A_70, %sign3A_80 : i32
      %sign3A_82 = arith.extui %sign3A_81 : i1 to i32
      %sign3A_83 = arith.subi %sign3A_79, %sign3A_82 : i32
      %ne3A = arith.cmpi ne, %sign3A_76, %sign3A_83 : i32
      %rem3A = arith.remsi %sub3A_69, %jit3A_70 : i32
      %ne3A_84 = arith.constant 0 : i32
      %ne3A_85 = arith.cmpi ne, %rem3A, %ne3A_84 : i32
      %and3A_86 = arith.andi %ne3A, %ne3A_85 : i1
      %sub3A_87 = arith.constant 1 : i32
      %sub3A_88 = arith.subi %div3A, %sub3A_87 : i32
      %select_n3A_89 = arith.select %and3A_86, %sub3A_88, %div3A : i32
      %add3A_90 = arith.addi %scan3A_67, %select_n3A_89 : i32
      %lt3A_91 = vector.broadcast %add3A_90 : i32 to vector<1x24576xi32>
      %lt3A_92 = arith.cmpi slt, %iota3A, %lt3A_91 : vector<1x24576xi32>
      %and3A_93 = arith.andi %eq3A_40, %lt3A_92 : vector<1x24576xi1>
      %convert_element_type3A_94 = arith.extui %and3A_93 : vector<1x24576xi1> to vector<1x24576xi32>
      %reduce_sum3A_95 = vector.shape_cast %convert_element_type3A_94 : vector<1x24576xi32> to vector<1x1x24576xi32>
      %reduce_sum3A_96 = arith.constant dense<0> : vector<1xi32>
      %reduce_sum3A_97 = vector.multi_reduction <add>, %reduce_sum3A_95, %reduce_sum3A_96 [1, 2] : vector<1x1x24576xi32> to vector<1xi32>
      %reduce_sum3A_98 = vector.shape_cast %reduce_sum3A_97 : vector<1xi32> to vector<1x1x1xi32>
      %reduce_sum3A_99 = vector.extract %reduce_sum3A_98[0, 0, 0] : i32 from vector<1x1x1xi32>
      %ge3A = arith.cmpi sge, %reduce_sum3A_99, %sub3A : i32
      %add3A_100 = arith.constant 1 : i32
      %add3A_101 = arith.addi %add3A_90, %add3A_100 : i32
      %select_n3A_102 = arith.select %ge3A, %scan3A_67, %add3A_101 : i32
      %select_n3A_103 = arith.select %ge3A, %add3A_90, %scan3A_68 : i32
      scf.yield %select_n3A_102, %select_n3A_103 : i32, i32
    }
    %lt3A = vector.broadcast %scan3A_47#1 : i32 to vector<1x24576xi32>
    %lt3A_48 = arith.cmpi slt, %iota3A, %lt3A : vector<1x24576xi32>
    %and3A = arith.andi %eq3A_40, %lt3A_48 : vector<1x24576xi1>
    %or3A = arith.ori %gt3A_26, %and3A : vector<1x24576xi1>
    %jit3A_49 = arith.constant 0.000000e+00 : f32
    %broadcast_in_dim3A_50 = vector.broadcast %jit3A_49 : f32 to vector<1x24576xf32>
    %select_n3A_51 = arith.select %or3A, %get3A_8, %broadcast_in_dim3A_50 : vector<1x24576xi1>, vector<1x24576xf32>
    %reduce_sum3A_52 = vector.shape_cast %select_n3A_51 : vector<1x24576xf32> to vector<1x1x24576xf32>
    %reduce_sum3A_53 = arith.constant dense<0.000000e+00> : vector<1xf32>
    %reduce_sum3A_54 = vector.multi_reduction <add>, %reduce_sum3A_52, %reduce_sum3A_53 [1, 2] : vector<1x1x24576xf32> to vector<1xf32>
    %reduce_sum3A_55 = vector.shape_cast %reduce_sum3A_54 : vector<1xf32> to vector<1x1x1xf32>
    %reduce_sum3A_56 = vector.extract %reduce_sum3A_55[0, 0, 0] : f32 from vector<1x1x1xf32>
    %broadcast_in_dim3A_57 = vector.broadcast %add3A : f32 to vector<1x1x1xf32>
    %swap3A = arith.constant 0 : index
    %swap3A_58 = arith.constant 0 : index
    %swap3A_59 = arith.constant 0 : index
    %swap3A_60 = vector.load %arg4[%swap3A, %swap3A_58, %swap3A_59] : memref<1x1x1xf32, #tpu.memory_space<vmem>>, vector<1x1x1xf32>
    tpu.vector_store %arg4[%swap3A, %swap3A_58, %swap3A_59], %broadcast_in_dim3A_57 {strides = array<i32>} : memref<1x1x1xf32, #tpu.memory_space<vmem>>, vector<1x1x1xf32>,
    %broadcast_in_dim3A_61 = vector.broadcast %reduce_sum3A_56 : f32 to vector<1x1x1xf32>
    %swap3A_62 = arith.constant 0 : index
    %swap3A_63 = arith.constant 0 : index
    %swap3A_64 = arith.constant 0 : index
    %swap3A_65 = vector.load %arg5[%swap3A_62, %swap3A_63, %swap3A_64] : memref<1x1x1xf32, #tpu.memory_space<vmem>>, vector<1x1x1xf32>
    tpu.vector_store %arg5[%swap3A_62, %swap3A_63, %swap3A_64], %broadcast_in_dim3A_61 {strides = array<i32>} : memref<1x1x1xf32, #tpu.memory_space<vmem>>, vector<1x1x1xf32>,
    return
  }
  func.func @transform_0(%arg0: i32) -> (i32, i32, i32) {
    %c0_i32 = arith.constant 0 : i32
    %c0_i32_0 = arith.constant 0 : i32
    %c0_i32_1 = arith.constant 0 : i32
    return %arg0, %c0_i32, %c0_i32_0 : i32, i32, i32
  }
  func.func @transform_1(%arg0: i32) -> (i32, i32, i32) {
    %c0_i32 = arith.constant 0 : i32
    %c0_i32_0 = arith.constant 0 : i32
    %c0_i32_1 = arith.constant 0 : i32
    return %arg0, %c0_i32, %c0_i32_0 : i32, i32, i32
  }
  func.func @transform_2(%arg0: i32) -> (i32, i32, i32) {
    %c0_i32 = arith.constant 0 : i32
    %c0_i32_0 = arith.constant 0 : i32
    %c0_i32_1 = arith.constant 0 : i32
    return %arg0, %c0_i32, %c0_i32_0 : i32, i32, i32
  }
  func.func @transform_3(%arg0: i32) -> (i32, i32, i32) {
    %c0_i32 = arith.constant 0 : i32
    %c0_i32_0 = arith.constant 0 : i32
    %c0_i32_1 = arith.constant 0 : i32
    return %arg0, %c0_i32, %c0_i32_0 : i32, i32, i32
  }
  func.func @transform_4(%arg0: i32) -> (i32, i32, i32) {
    %c0_i32 = arith.constant 0 : i32
    %c0_i32_0 = arith.constant 0 : i32
    %c0_i32_1 = arith.constant 0 : i32
    return %arg0, %c0_i32, %c0_i32_0 : i32, i32, i32
  }
}

module attributes {stable_mosaic.version = 14 : i64} {
  func.func @_seg_body(%arg0: i32, %arg1: i32, %arg2: memref<1x21x19200xf32, #tpu.memory_space<vmem>>, %arg3: memref<1x21x19200xf32, #tpu.memory_space<vmem>>, %arg4: memref<1x1x19200xi32, #tpu.memory_space<vmem>>, %arg5: memref<1x1x19200xi32, #tpu.memory_space<vmem>>, %arg6: memref<1x1xf32, #tpu.memory_space<vmem>>, %arg7: memref<1x1xf32, #tpu.memory_space<vmem>>) attributes {dimension_semantics = [#tpu.dimension_semantics<arbitrary>, #tpu.dimension_semantics<arbitrary>], iteration_bounds = array<i64: 8, 4>, scalar_prefetch = 0 : i64, scratch_operands = 0 : i64, tpu.core_type = #tpu.core_type<tc>, window_params = [{transform_indices = @transform_0, window_bounds = array<i64: 1, 21, 19200>}, {transform_indices = @transform_1, window_bounds = array<i64: 1, 21, 19200>}, {transform_indices = @transform_2, window_bounds = array<i64: 1, 1, 19200>}, {transform_indices = @transform_3, window_bounds = array<i64: 1, 1, 19200>}, {pipeline_mode = #tpu.pipeline_mode<synchronous>, transform_indices = @transform_4, window_bounds = array<i64: 1, 1>}, {pipeline_mode = #tpu.pipeline_mode<synchronous>, transform_indices = @transform_5, window_bounds = array<i64: 1, 1>}]} {
    %eq3A = arith.constant 0 : i32
    %eq3A_0 = arith.cmpi eq, %arg0, %eq3A : i32
    %eq3A_1 = arith.constant 0 : i32
    %eq3A_2 = arith.cmpi eq, %arg1, %eq3A_1 : i32
    %and3A = arith.andi %eq3A_0, %eq3A_2 : i1
    %convert_element_type3A = arith.extui %and3A : i1 to i32
    %cond3A = arith.constant 0 : i32
    %cond3A_3 = arith.cmpi ne, %convert_element_type3A, %cond3A : i32
    scf.if %cond3A_3 {
      %broadcast_in_dim3A_74 = arith.constant 0.000000e+00 : f32
      %broadcast_in_dim3A_75 = vector.broadcast %broadcast_in_dim3A_74 : f32 to vector<1x1xf32>
      %swap3A_76 = arith.constant 0 : index
      %swap3A_77 = arith.constant 0 : index
      %swap3A_78 = vector.load %arg6[%swap3A_76, %swap3A_77] : memref<1x1xf32, #tpu.memory_space<vmem>>, vector<1x1xf32>
      tpu.vector_store %arg6[%swap3A_76, %swap3A_77], %broadcast_in_dim3A_75 {strides = array<i32>} : memref<1x1xf32, #tpu.memory_space<vmem>>, vector<1x1xf32>,
      %broadcast_in_dim3A_79 = arith.constant 0.000000e+00 : f32
      %broadcast_in_dim3A_80 = vector.broadcast %broadcast_in_dim3A_79 : f32 to vector<1x1xf32>
      %swap3A_81 = arith.constant 0 : index
      %swap3A_82 = arith.constant 0 : index
      %swap3A_83 = vector.load %arg7[%swap3A_81, %swap3A_82] : memref<1x1xf32, #tpu.memory_space<vmem>>, vector<1x1xf32>
      tpu.vector_store %arg7[%swap3A_81, %swap3A_82], %broadcast_in_dim3A_80 {strides = array<i32>} : memref<1x1xf32, #tpu.memory_space<vmem>>, vector<1x1xf32>,
    } else {
    }
    %get3A = arith.constant 0 : index
    %get3A_4 = arith.constant 0 : index
    %get3A_5 = vector.load %arg6[%get3A, %get3A_4] : memref<1x1xf32, #tpu.memory_space<vmem>>, vector<1x1xf32>
    %get3A_6 = arith.constant 0 : index
    %get3A_7 = arith.constant 0 : index
    %get3A_8 = arith.constant 0 : index
    %get3A_9 = vector.load %arg2[%get3A_6, %get3A_7, %get3A_8] : memref<1x21x19200xf32, #tpu.memory_space<vmem>>, vector<1x21x19200xf32>
    %get3A_10 = vector.shape_cast %get3A_9 : vector<1x21x19200xf32> to vector<21x19200xf32>
    %get3A_11 = arith.constant 0 : index
    %get3A_12 = arith.constant 0 : index
    %get3A_13 = arith.constant 0 : index
    %get3A_14 = vector.load %arg4[%get3A_11, %get3A_12, %get3A_13] : memref<1x1x19200xi32, #tpu.memory_space<vmem>>, vector<1x1x19200xi32>
    %get3A_15 = vector.shape_cast %get3A_14 : vector<1x1x19200xi32> to vector<1x19200xi32>
    %iota3A = tpu.iota {dimensions = array<i32: 0>} : vector<21x19200xi32>
    %reduce_max3A = arith.constant dense<0xFF800000> : vector<19200xf32>
    %reduce_max3A_16 = vector.multi_reduction <maximumf>, %get3A_10, %reduce_max3A [0] : vector<21x19200xf32> to vector<19200xf32>
    %broadcast_in_dim3A = vector.shape_cast %reduce_max3A_16 : vector<19200xf32> to vector<1x19200xf32>
    %sub3A = vector.broadcast %broadcast_in_dim3A : vector<1x19200xf32> to vector<21x19200xf32>
    %sub3A_17 = arith.subf %get3A_10, %sub3A : vector<21x19200xf32>
    %exp3A = math.exp %sub3A_17 : vector<21x19200xf32>
    %reduce_sum3A = arith.constant dense<0.000000e+00> : vector<19200xf32>
    %reduce_sum3A_18 = vector.multi_reduction <add>, %exp3A, %reduce_sum3A [0] : vector<21x19200xf32> to vector<19200xf32>
    %broadcast_in_dim3A_19 = vector.shape_cast %reduce_sum3A_18 : vector<19200xf32> to vector<1x19200xf32>
    %log3A = math.log %broadcast_in_dim3A_19 : vector<1x19200xf32>
    %add3A = arith.addf %broadcast_in_dim3A, %log3A : vector<1x19200xf32>
    %eq3A_20 = vector.broadcast %get3A_15 : vector<1x19200xi32> to vector<21x19200xi32>
    %eq3A_21 = arith.cmpi eq, %iota3A, %eq3A_20 : vector<21x19200xi32>
    %jit3A = arith.constant 0.000000e+00 : f32
    %broadcast_in_dim3A_22 = vector.broadcast %jit3A : f32 to vector<21x19200xf32>
    %select_n3A = arith.select %eq3A_21, %get3A_10, %broadcast_in_dim3A_22 : vector<21x19200xi1>, vector<21x19200xf32>
    %reduce_sum3A_23 = arith.constant dense<0.000000e+00> : vector<19200xf32>
    %reduce_sum3A_24 = vector.multi_reduction <add>, %select_n3A, %reduce_sum3A_23 [0] : vector<21x19200xf32> to vector<19200xf32>
    %broadcast_in_dim3A_25 = vector.shape_cast %reduce_sum3A_24 : vector<19200xf32> to vector<1x19200xf32>
    %sub3A_26 = arith.subf %add3A, %broadcast_in_dim3A_25 : vector<1x19200xf32>
    %reduce_sum3A_27 = arith.constant dense<0.000000e+00> : vector<1xf32>
    %reduce_sum3A_28 = vector.multi_reduction <add>, %sub3A_26, %reduce_sum3A_27 [1] : vector<1x19200xf32> to vector<1xf32>
    %broadcast_in_dim3A_29 = vector.shape_cast %reduce_sum3A_28 : vector<1xf32> to vector<1x1xf32>
    %add3A_30 = arith.addf %get3A_5, %broadcast_in_dim3A_29 : vector<1x1xf32>
    %swap3A = arith.constant 0 : index
    %swap3A_31 = arith.constant 0 : index
    %swap3A_32 = vector.load %arg6[%swap3A, %swap3A_31] : memref<1x1xf32, #tpu.memory_space<vmem>>, vector<1x1xf32>
    tpu.vector_store %arg6[%swap3A, %swap3A_31], %add3A_30 {strides = array<i32>} : memref<1x1xf32, #tpu.memory_space<vmem>>, vector<1x1xf32>,
    %get3A_33 = arith.constant 0 : index
    %get3A_34 = arith.constant 0 : index
    %get3A_35 = vector.load %arg7[%get3A_33, %get3A_34] : memref<1x1xf32, #tpu.memory_space<vmem>>, vector<1x1xf32>
    %get3A_36 = arith.constant 0 : index
    %get3A_37 = arith.constant 0 : index
    %get3A_38 = arith.constant 0 : index
    %get3A_39 = vector.load %arg3[%get3A_36, %get3A_37, %get3A_38] : memref<1x21x19200xf32, #tpu.memory_space<vmem>>, vector<1x21x19200xf32>
    %get3A_40 = vector.shape_cast %get3A_39 : vector<1x21x19200xf32> to vector<21x19200xf32>
    %get3A_41 = arith.constant 0 : index
    %get3A_42 = arith.constant 0 : index
    %get3A_43 = arith.constant 0 : index
    %get3A_44 = vector.load %arg5[%get3A_41, %get3A_42, %get3A_43] : memref<1x1x19200xi32, #tpu.memory_space<vmem>>, vector<1x1x19200xi32>
    %get3A_45 = vector.shape_cast %get3A_44 : vector<1x1x19200xi32> to vector<1x19200xi32>
    %iota3A_46 = tpu.iota {dimensions = array<i32: 0>} : vector<21x19200xi32>
    %reduce_max3A_47 = arith.constant dense<0xFF800000> : vector<19200xf32>
    %reduce_max3A_48 = vector.multi_reduction <maximumf>, %get3A_40, %reduce_max3A_47 [0] : vector<21x19200xf32> to vector<19200xf32>
    %broadcast_in_dim3A_49 = vector.shape_cast %reduce_max3A_48 : vector<19200xf32> to vector<1x19200xf32>
    %sub3A_50 = vector.broadcast %broadcast_in_dim3A_49 : vector<1x19200xf32> to vector<21x19200xf32>
    %sub3A_51 = arith.subf %get3A_40, %sub3A_50 : vector<21x19200xf32>
    %exp3A_52 = math.exp %sub3A_51 : vector<21x19200xf32>
    %reduce_sum3A_53 = arith.constant dense<0.000000e+00> : vector<19200xf32>
    %reduce_sum3A_54 = vector.multi_reduction <add>, %exp3A_52, %reduce_sum3A_53 [0] : vector<21x19200xf32> to vector<19200xf32>
    %broadcast_in_dim3A_55 = vector.shape_cast %reduce_sum3A_54 : vector<19200xf32> to vector<1x19200xf32>
    %log3A_56 = math.log %broadcast_in_dim3A_55 : vector<1x19200xf32>
    %add3A_57 = arith.addf %broadcast_in_dim3A_49, %log3A_56 : vector<1x19200xf32>
    %eq3A_58 = vector.broadcast %get3A_45 : vector<1x19200xi32> to vector<21x19200xi32>
    %eq3A_59 = arith.cmpi eq, %iota3A_46, %eq3A_58 : vector<21x19200xi32>
    %jit3A_60 = arith.constant 0.000000e+00 : f32
    %broadcast_in_dim3A_61 = vector.broadcast %jit3A_60 : f32 to vector<21x19200xf32>
    %select_n3A_62 = arith.select %eq3A_59, %get3A_40, %broadcast_in_dim3A_61 : vector<21x19200xi1>, vector<21x19200xf32>
    %reduce_sum3A_63 = arith.constant dense<0.000000e+00> : vector<19200xf32>
    %reduce_sum3A_64 = vector.multi_reduction <add>, %select_n3A_62, %reduce_sum3A_63 [0] : vector<21x19200xf32> to vector<19200xf32>
    %broadcast_in_dim3A_65 = vector.shape_cast %reduce_sum3A_64 : vector<19200xf32> to vector<1x19200xf32>
    %sub3A_66 = arith.subf %add3A_57, %broadcast_in_dim3A_65 : vector<1x19200xf32>
    %reduce_sum3A_67 = arith.constant dense<0.000000e+00> : vector<1xf32>
    %reduce_sum3A_68 = vector.multi_reduction <add>, %sub3A_66, %reduce_sum3A_67 [1] : vector<1x19200xf32> to vector<1xf32>
    %broadcast_in_dim3A_69 = vector.shape_cast %reduce_sum3A_68 : vector<1xf32> to vector<1x1xf32>
    %add3A_70 = arith.addf %get3A_35, %broadcast_in_dim3A_69 : vector<1x1xf32>
    %swap3A_71 = arith.constant 0 : index
    %swap3A_72 = arith.constant 0 : index
    %swap3A_73 = vector.load %arg7[%swap3A_71, %swap3A_72] : memref<1x1xf32, #tpu.memory_space<vmem>>, vector<1x1xf32>
    tpu.vector_store %arg7[%swap3A_71, %swap3A_72], %add3A_70 {strides = array<i32>} : memref<1x1xf32, #tpu.memory_space<vmem>>, vector<1x1xf32>,
    return
  }
  func.func @transform_0(%arg0: i32, %arg1: i32) -> (i32, i32, i32) {
    %c0_i32 = arith.constant 0 : i32
    %c0_i32_0 = arith.constant 0 : i32
    return %arg0, %c0_i32, %arg1 : i32, i32, i32
  }
  func.func @transform_1(%arg0: i32, %arg1: i32) -> (i32, i32, i32) {
    %c0_i32 = arith.constant 0 : i32
    %c0_i32_0 = arith.constant 0 : i32
    return %arg0, %c0_i32, %arg1 : i32, i32, i32
  }
  func.func @transform_2(%arg0: i32, %arg1: i32) -> (i32, i32, i32) {
    %c0_i32 = arith.constant 0 : i32
    %c0_i32_0 = arith.constant 0 : i32
    return %arg0, %c0_i32, %arg1 : i32, i32, i32
  }
  func.func @transform_3(%arg0: i32, %arg1: i32) -> (i32, i32, i32) {
    %c0_i32 = arith.constant 0 : i32
    %c0_i32_0 = arith.constant 0 : i32
    return %arg0, %c0_i32, %arg1 : i32, i32, i32
  }
  func.func @transform_4(%arg0: i32, %arg1: i32) -> (i32, i32) {
    %c0_i32 = arith.constant 0 : i32
    %c0_i32_0 = arith.constant 0 : i32
    %c0_i32_1 = arith.constant 0 : i32
    return %c0_i32, %c0_i32_0 : i32, i32
  }
  func.func @transform_5(%arg0: i32, %arg1: i32) -> (i32, i32) {
    %c0_i32 = arith.constant 0 : i32
    %c0_i32_0 = arith.constant 0 : i32
    %c0_i32_1 = arith.constant 0 : i32
    return %c0_i32, %c0_i32_0 : i32, i32
  }
}

</mosaic_0001>

<sc_bundles>
// kernel: sparse-core-data-format-call.1.cloned.1.call-start
scs
called_computation.1_lowered:
.L_overlay_start_0:
0x0: {  	s2 =	sld [smem:$0x3FD9]  }
0x1: {  	s3 =	sld [smem:$0x3FFE];
	_ =	sdelay $0x1  }
0x2: {  	s1 =	srdreg.scid  }
0x3: {  	s0 =	sand.u32 $0x1, s1  }
0x4: {  	s18 =	sshll.u32 s0, $0xA;
	s2 =	sadd.s32 s3, s2  }
0x5: {  	s2 =	sadd.s32 s2, s18  }
0x6: {  	[smem:$0x3FBD] =	sst s2  }
0x7: {  	_ = 	snop  }
0x8: {  	s2 =	sld [smem:$0x3FC5];
	(tm) =	ssettm $0x1  }
0x9: {  	s19 =	sld [smem:$0x3FFB];
	_ =	sdelay $0x3  }
0xa: {  	_ =	strace s19  }
0xb: {  	s3 =	sld [smem:$0x3FFC];
	_ =	sdelay $0x3  }
0xc: {  	_ =	strace s3  }
0xd: {  	s3 =	sld [smem:$0x3FFD];
	_ =	sdelay $0x3  }
0xe: {  	_ =	strace s3  }
0xf: {  	_ =	strace $0x8FFFFFFF  }
0x10: {  	s20 =	sld [smem:$0x3FDB];
	_ =	sdelay $0x1  }
0x11: {  	s4 =	simm.s32 $_scs_section_size  }
0x12: {  	s5 =	simm.s32 $_size__tile_overlayer_lowered;
	s6 =	simm.s32 $_tile_overlayer_lowered  }
0x13: {  	s23 =	simm.s32 $0x1BFF;
	s22 =	sshll.u32 s6, $0x1;
	s3 =	sadd.s32 s4, s20  }
0x14: {  	s7 =	simm.s32 $0x0;
	s21 =	sshll.u32 s5, $0x1;
	s5 =	sadd.s32 s22, s3  }
0x15: {  	[timem:s7], [sflag:s23] =	dma.local [hbm:s5], s21  }
0x16: {  	_ =	swait.ge [sflag:s23], s21  }
0x17: {  	s4 =	ssub.s32 $0x0, s21;
	[sflag:s23] =	ssyncset.done $0x0  }
0x18: {  	[sflag:s23] =	ssyncadd.s32 s4;
	_ =	sdelay $0x1  }
0x19: {  	s24 =	simm.s32 $0x1B8B  }
0x1a: {  	_ =	swait.ge [sflag:s24], $0x1  }
0x1b: {  	[sflag:s24] =	ssyncset.done $0x0  }
0x1c: {  	s26 =	simm.s32 $0x1B8E;
	s25 =	sld [smem:$0x3FFE];
	[sflag:s24] =	ssyncadd.s32 $0xFFFFFFFF  }
0x1d: {  	s27 =	simm.s32 $execute0_lowered;
	[smem:$0x3FD2] =	sst s26  }
0x1e: {  	s5 =	sshll.u32 s27, $0x1;
	_ =	strace $0x80000046;
	[dreg:$0x1] =	wrdreg $0xFFFFFFFF  }
0x1f: {  	s28 =	simm.s32 $_size_execute0_lowered;
	s3 =	sadd.s32 s3, s5;
	[dreg:$0x0] =	wrdreg $0x0  }
0x20: {  	s5 =	sshll.u32 s28, $0x1;
	[dreg:$0x2] =	wrdreg s3  }
0x21: {  	[dreg:$0x3] =	wrdreg s5  }
0x22: {  	[dreg:$0x4] =	wrdreg $0xC0  }
0x23: {  	_ =	task [dreg:s7], $0x5FFFF  }
0x24: {  	[dreg:$0x1] =	wrdreg $0xFFFFFFFF  }
0x25: {  	[dreg:$0x0] =	wrdreg $0x60  }
0x26: {  	[dreg:$0x2] =	wrdreg s2  }
0x27: {  	[dreg:$0x3] =	wrdreg s25  }
0x28: {  	[dreg:$0x4] =	wrdreg $0xA  }
0x29: {  	_ =	task.clear_ibuf [dreg:s7], $0x5FFFF;
	_ =	strace $0x90000046  }
0x2a: {  	s29 =	simm.s32 $0xA;
	_ =	strace $0x80000048  }
0x2b: {  	_ =	swait.ge [sflag:s29], $0x1  }
0x2c: {  	[sflag:s29] =	ssyncadd.s32 $0xFFFFFFFF  }
0x2d: {  	_ =	strace $0x90000048  }
0x2e: {  	_ =	sfence  }
0x2f: {  	s30 =	sld [smem:$0x0];
	_ =	sdelay $0x2  }
0x30: {  	s31 =	sshll.u32 s1, $0xD;
	s1 =	sshrl.u32 s1, $0x2  }
0x31: {  	s3 =	sand.u32 $0x4000, s31;
	s1 =	sadd.s32 s1, s30  }
0x32: {  	s0 =	sor.u32 s3, s0;
	s1 =	sshll.u32 s1, $0x11  }
0x33: {  	s0 =	sor.u32 s1, s0  }
0x34: {  	s0 =	sadd.s32 $0x8F2B, s0  }
0x35: {  	[sflag:s0] =	ssyncadd.remote.s32 $0x1  }
0x36: {  	_ =	sfence.sel $0xFFFF  }
0x37: {  	[dreg:$0x0] =	wrdreg $0xFFFFFFFF;
	(pc) =	sbr.abs _section_cstart, $3  }
0x38: {  	[dreg:$0x1] =	wrdreg $0xFFFFFFFF  }
0x39: {  	_ =	task.clear_ibuf [dreg:s7], $0x2FFFF;
	_ =	strace $0x9FFFFFFF  }
0x3a: {  	(tm) =	ssettm $0x7FFFFFFF  }
0x3b: {  	_ =	shalt  }
tec
execute0_lowered:
.L_overlay_start_1:
0x0: {  	(tag) =	ssettag $0x1  }
0x1: {  	s2 =	stileid.u32;
	_ =	strace $0x80000047  }
0x2: {  	s1 =	srdreg.scid;
	s28 =	simm.s32 $0x1;
	s29 =	simm.s32 $0x2  }
0x3: {  	s21 =	simm.s32 $0x0;
	s20 =	simm.s32 $0x0;
	s0 =	sshll.u32 s2, $0x4  }
0x4: {  	s22 =	simm.s32 $0x0;
	s23 =	simm.s32 $0x0;
	s15 =	sand.u32 $0x80, s0  }
0x5: {  	s12 =	simm.s32 $0x0;
	s13 =	simm.s32 $0x0;
	s0 =	ssub.s32 $0x100, s15  }
0x6: {  	s18 =	sand.u32 $0x7, s2;
	s1 =	sshll.u32 s1, $0x7;
	s0 =	sshrl.u32 s0, $0x8  }
0x7: {  	s3 =	sand.u32 $0x80, s1;
	[dreg:$0x4] =	wrdreg s18;
	s0 =	smul.u32 $0x15, s0  }
.Ltmp0:
0x8: {  	s14 =	simm.s32 $0x0;
	[dreg:$0x5] =	wrdreg s3;
	(pc) =	sbr.rel .LBB1_1-.Ltmp0, $4  }
0x9: {  	s16 =	simm.s32 $0x0;
	s31 =	sshll.u32 s3, $0x3;
	[dreg:$0x3] =	wrdreg s15  }
0xa: {  	s17 =	simm.s32 $0x0;
	[dreg:$0x7] =	wrdreg s31;
	s30 =	sadd.s32 $0x15, s0  }
0xb: {  	[sflag:s28] =	ssyncpa.u1 $0x0;
	s7 =	sadd.s32 $0x16, s0;
	[dreg:$0x6] =	wrdreg s30  }
0xc: {  	s19 =	simm.s32 $0x0;
	[sflag:s29] =	ssyncpa.u1 $0x0;
	[dreg:$0x8] =	wrdreg s7  }
.LBB1_11:
0xd: {  	s0 =	sshrl.u32 s12, $0x3;
	s1 =	sshll.u32 s13, $0x3;
	s8 =	sand.u32 $0x7F, s13  }
0xe: {  	p0 =	sgt.s32 s12, $0x70;
	s3 =	smov.u32 s12;
	s0 =	smul.u32 $0xC00, s0  }
0xf: {  	s5 =	rddreg [dreg:$0x9];
	s11 =	smul.u32 $0x3B100, s16;
	s1 =	sand.u32 $0xFFFFFC00, s1  }
0x10: {  	s6 =	rddreg [dreg:$0xa];
	s24 =	smul.u32 $0x2D00, s14;
	s0 =	sadd.s32 s1, s0  }
0x11: {  	s25 =	rddreg [dreg:$0x1];
	s3 =	simm.s32 @!p0 $0x70;
	s2 =	smulhi.u32 $0xAAAAAAAB, s0  }
0x12: {  	p0 =	sgt.s32 s13, $0x100;
	s1 =	smov.u32 s13;
	s0 =	sor.u32 s8, s0  }
0x13: {  	s1 =	simm.s32 @!p0 $0x100;
	s4 =	smulhi.u32 $0xAAAAAAAB, s0;
	s2 =	sshrl.u32 s2, $0x8  }
0x14: {  	s3 =	ssub.s32 $0xF0, s3;
	s1 =	sadd.s32 s5, s1;
	s9 =	smulhi.u32 $0x1111112, s2  }
0x15: {  	s3 =	smul.u32 s3, s6;
	s10 =	sadd.s32 $0xFFFFFF00, s1;
	s1 =	ssub.s32 $0x180, s1  }
0x16: {  	s4 =	sshrl.u32 s4, $0x8;
	p0 =	sgt.s32 s10, $0x7F;
	s5 =	smul.u32 $0xF0, s9  }
0x17: {  	s29 =	sor.u32 $0x8000, s26;
	s4 =	smul.u32 $0x180, s4;
	s1 =	simm.s32 @p0 $0x0  }
0x18: {  	s31 =	simm.s32 $0xC00;
	s1 =	smul.u32 s1, s3;
	s2 =	ssub.s32 s2, s5  }
0x19: {  	s3 =	sadd.s32 s25, s11;
	s0 =	ssub.s32 s0, s4;
	s2 =	smul.u32 $0x30, s2  }
0x1a: {  	s7 =	rddreg [dreg:$0x8];
	s3 =	sadd.s32 s24, s3;
	s27 =	sand.u32 $0x7, s0  }
0x1b: {  	s0 =	sshrl.u32 s0, $0x3;
	s28 =	sshll.u32 s27, $0x12;
	s2 =	sadd.s32 s2, s3  }
0x1c: {  	s1 =	sand.u32 $0x3FFFFFFF, s1;
	s30 =	sor.u32 $0x400, s28;
	s0 =	sadd.s32 s0, s2  }
0x1d: {  	[hbm4b:s0+s30] =	stream.strided.scatter [tilespmem:s29], [sflag:$0x2], s1, s31, s30, $0x20;
	[tilespmem:$0x10100] =	vst v63  }
.LBB1_12:
0x1e: {  	p0 =	slt.u32 s19, $0x2  }
0x1f: {  	s0 =	smov.u32 s23;
	s2 =	smov.u32 s22;
	p1 =	sgt.s32 @!p0 s23, $0x7  }
0x20: {  	s1 =	sshra.s32 @!p0 s23, $0x1F;
	s3 =	sshra.s32 @!p0 s22, $0x1F;
	p1 =	por !p1, p0  }
0x21: {  	s1 =	sand.u32 @!p0 s1, s23;
	s0 =	simm.s32 @p1 $0x7;
	p1 =	sgt.s32 @!p0 s22, $0x14  }
0x22: {  	p3 =	sgt.s32 @!p0 s20, $0x100;
	s0 =	ssub.s32 @!p0 s0, s1;
	p1 =	por !p1, p0  }
0x23: {  	p3 =	por !p3, p0;
	s1 =	sadd.s32 @!p0 $0xFFFFFFF9, s0;
	s2 =	simm.s32 @p1 $0x14  }
0x24: {  	s0 =	ssub.s32 @!p0 $0x8, s0;
	p2 =	sgt.s32 @!p0 s1, $0x0;
	s1 =	sand.u32 @!p0 s3, s22  }
0x25: {  	s3 =	sshra.s32 @!p0 s20, $0x1F;
	p1 =	por !p2, p0;
	s1 =	ssub.s32 @!p0 s2, s1  }
0x26: {  	p2 =	sgt.s32 @!p0 s21, $0x70;
	s0 =	simm.s32 @!p1 $0x0;
	s2 =	sadd.s32 @!p0 $0xFFFFFFEC, s1  }
0x27: {  	p2 =	por !p2, p0;
	p1 =	sgt.s32 @!p0 s2, $0x0;
	s2 =	smov.u32 s20  }
0x28: {  	s3 =	sand.u32 @!p0 s3, s20;
	s21 =	simm.s32 @p2 $0x70;
	s2 =	simm.s32 @p3 $0x100  }
0x29: {  	s1 =	ssub.s32 @!p0 $0x15, s1;
	s4 =	ssub.s32 @!p0 $0xF0, s21;
	s2 =	ssub.s32 @!p0 s2, s3  }
0x2a: {  	p1 =	por !p1, p0;
	s0 =	smul.u32 @!p0 s0, s4;
	s3 =	sadd.s32 @!p0 $0xFFFFFF00, s2  }
0x2b: {  	s1 =	simm.s32 @!p1 $0x0;
	p1 =	sgt.s32 @!p0 s3, $0x7F  }
0x2c: {  	s2 =	ssub.s32 @!p0 $0x180, s2;
	s0 =	smul.u32 @!p0 s1, s0;
	p1 =	por !p1, p0  }
0x2d: {  	s1 =	sadd.s32 $0x100, s15;
	s2 =	simm.s32 @!p1 $0x0  }
0x2e: {  	p1 =	sgt.s32 s1, $0x13F;
	s0 =	smul.u32 @!p0 s2, s0;
	s2 =	simm.s32 $0x1  }
0x2f: {  	s5 =	smov.u32 s18;
	s4 =	rddreg [dreg:$0x3];
	s2 =	simm.s32 @!p1 $0x0  }
0x30: {  	s3 =	simm.s32 @!p0 $0x2;
	s1 =	smov.u32 @p1 s4;
	s2 =	sadd.s32 s2, s17  }
0x31: {  	s4 =	sadd.s32 $0x8, s18;
	s0 =	sand.u32 @!p0 $0x3FFFFFFF, s0;
	p1 =	sgt.s32 s2, $0x14  }
0x32: {  	s31 =	sadd.s32 $0x1, s19;
	_ =	swait.ge @!p0 [sflag:s3], s0;
	s5 =	smov.u32 @p1 s4  }
0x33: {  	s2 =	simm.s32 @p1 $0x0;
	s4 =	rddreg [dreg:$0x4];
	p1 =	sgt.s32 s5, $0x7  }
0x34: {  	s23 =	smov.u32 s16;
	s5 =	smov.u32 @p1 s4;
	p1 =	sne.s32 s19, s7  }
.Ltmp1:
0x35: {  	s16 =	smov.u32 s18;
	s22 =	smov.u32 s14;
	(pc) =	sbr.rel @!p1 .LBB1_13-.Ltmp1, $4  }
0x36: {  	s14 =	smov.u32 s17;
	s20 =	smov.u32 s13;
	s13 =	smov.u32 s15  }
0x37: {  	s21 =	smov.u32 s12;
	s0 =	ssub.s32 @!p0 $0x0, s0;
	[sflag:s3] =	ssyncset.done @!p0 $0x0  }
0x38: {  	s15 =	smov.u32 s1;
	s12 =	rddreg [dreg:$0x5];
	[sflag:s3] =	ssyncadd.s32 @!p0 s0  }
0x39: {  	s17 =	smov.u32 s2;
	s19 =	smov.u32 s31;
	s18 =	smov.u32 s5  }
.LBB1_1:
0x3a: {  	s0 =	rddreg [dreg:$0x6]  }
0x3b: {  	p0 =	sge.u32 s19, s0  }
0x3c: {  	s2 =	rddreg [dreg:$0x7];
	s3 =	smov.u32 s18;
	s0 =	sshll.u32 @!p0 s15, $0x8  }
0x3d: {  	s1 =	sshll.u32 @!p0 s15, $0x7;
	p1 =	sgt.s32 @!p0 s18, $0x7;
	s4 =	sshra.s32 @!p0 s18, $0x1F  }
0x3e: {  	s5 =	sshra.s32 @!p0 s17, $0x1F;
	s0 =	sand.u32 @!p0 $0xFFFFF800, s0;
	s1 =	sand.u32 @!p0 $0x300, s1  }
0x3f: {  	p1 =	por !p1, p0;
	s4 =	sand.u32 @!p0 s4, s18;
	s5 =	sand.u32 @!p0 s5, s17  }
0x40: {  	s0 =	sor.u32 @!p0 s2, s0;
	s2 =	sxor.u32 @!p0 $0xFFFFFFFF, s19;
	s3 =	simm.s32 @p1 $0x7  }
0x41: {  	p1 =	sgt.s32 @!p0 s17, $0x14;
	s0 =	sor.u32 @!p0 s1, s0;
	s3 =	ssub.s32 @!p0 s3, s4  }
0x42: {  	p1 =	por !p1, p0;
	s4 =	smov.u32 s17;
	s2 =	sshll.u32 @!p0 s2, $0xE  }
0x43: {  	s0 =	sshrl.u32 @!p0 s0, $0x8;
	s4 =	simm.s32 @p1 $0x14;
	p1 =	sgt.s32 @!p0 s15, $0xC0  }
0x44: {  	s3 =	sadd.s32 @!p0 $0xFFFFFFF9, s3;
	s1 =	smulhi.u32 @!p0 $0xCCCCCD, s0;
	s4 =	ssub.s32 @!p0 s4, s5  }
0x45: {  	p1 =	por !p1, p0;
	s5 =	smov.u32 s15;
	p2 =	sgt.s32 @!p0 s3, $0x0  }
0x46: {  	s3 =	sshll.u32 @!p0 s3, $0x7;
	s6 =	sadd.s32 @!p0 $0xFFFFFFEC, s4;
	s5 =	simm.s32 @p1 $0xC0  }
0x47: {  	s4 =	ssub.s32 @!p0 $0x15, s4;
	p1 =	sgt.s32 @!p0 s6, $0x0;
	s6 =	sshra.s32 @!p0 s15, $0x1F  }
0x48: {  	s3 =	ssub.s32 @!p0 $0x80, s3;
	p2 =	por !p2, p0;
	s6 =	sand.u32 @!p0 s6, s15  }
0x49: {  	s1 =	smul.u32 @!p0 $0x140, s1;
	p1 =	por !p1, p0;
	s5 =	ssub.s32 @!p0 s5, s6  }
0x4a: {  	s3 =	simm.s32 @!p2 $0x0;
	s4 =	simm.s32 @!p1 $0x0;
	s6 =	sadd.s32 @!p0 $0xFFFFFF40, s5  }
0x4b: {  	s0 =	ssub.s32 @!p0 s0, s1;
	s3 =	smul.u32 @!p0 s4, s3;
	p1 =	sgt.s32 @!p0 s6, $0x7F  }
0x4c: {  	s4 =	ssub.s32 @!p0 $0x140, s5;
	s5 =	smul.u32 @!p0 $0x34800, s18;
	p1 =	por !p1, p0  }
0x4d: {  	s1 =	smul.u32 @!p0 $0x2800, s17;
	s6 =	rddreg [dreg:$0x0];
	s4 =	simm.s32 @!p1 $0x0  }
0x4e: {  	s5 =	sadd.s32 @!p0 s6, s5;
	s3 =	smul.u32 @!p0 s4, s3;
	s4 =	sshll.u32 @!p0 s15, $0x4  }
0x4f: {  	s2 =	sand.u32 @!p0 $0x4000, s2;
	s1 =	sadd.s32 @!p0 s1, s5;
	s4 =	sand.u32 @!p0 $0x10, s4  }
0x50: {  	s0 =	sshll.u32 @!p0 s0, $0x5;
	s3 =	sand.u32 @!p0 $0x3FFFFF80, s3;
	s1 =	sadd.s32 @!p0 s4, s1  }
0x51: {  	s4 =	simm.s32 @!p0 $0x800;
	s0 =	sadd.s32 @!p0 s0, s1;
	s1 =	simm.s32 @!p0 $0x400  }
0x52: {  	[tilespmem:s2], [sflag:$0x1] =	stream.strided.gather @!p0 [hbm4b:s0+s1], s3, s4, s1, $0x38;
	[tilespmem:$0x10100] =	vst v63  }
0x53: {  	p0 =	seq.s32 s19, $0x0  }
0x54: {  	p1 =	sge.u32 @!p0 s19, s7  }
0x55: {  	p0 =	por p0, p1  }
.Ltmp2:
0x56: {  	_ = 	snop;
	(pc) =	sbr.rel @p0 .LBB1_12-.Ltmp2, $1  }
0x57: {  	_ =	sdelay $0x3  }
0x58: {  	p0 =	sgt.s32 s16, $0x7  }
0x59: {  	s0 =	smov.u32 s16;
	s1 =	sshra.s32 s16, $0x1F;
	s2 =	sshra.s32 s14, $0x1F  }
0x5a: {  	s8 =	ssub.s32 $0x0, s13;
	s9 =	sshra.s32 s13, $0x1F;
	p1 =	sgt.s32 s13, $0xC0  }
0x5b: {  	s4 =	smov.u32 s13;
	s0 =	simm.s32 @!p0 $0x7;
	s1 =	sand.u32 s1, s16  }
0x5c: {  	p0 =	sgt.s32 s14, $0x14;
	s0 =	ssub.s32 s0, s1;
	s1 =	smov.u32 s14  }
0x5d: {  	s2 =	sand.u32 s2, s14;
	s4 =	simm.s32 @!p1 $0xC0;
	s1 =	simm.s32 @!p0 $0x14  }
0x5e: {  	s3 =	sadd.s32 $0xFFFFFFF9, s0;
	s0 =	ssub.s32 $0x8, s0;
	s1 =	ssub.s32 s1, s2  }
0x5f: {  	p0 =	sgt.s32 s3, $0x0;
	s2 =	sand.u32 s8, s9;
	s5 =	sadd.s32 $0xFFFFFFEC, s1  }
0x60: {  	s1 =	ssub.s32 $0x15, s1;
	[dreg:$0x9] =	wrdreg s2;
	s2 =	sadd.s32 s2, s4  }
0x61: {  	s0 =	simm.s32 @p0 $0x0;
	p1 =	sgt.s32 s5, $0x0;
	s2 =	sadd.s32 $0xFFFFFF40, s2  }
0x62: {  	s1 =	simm.s32 @p1 $0x0;
	s11 =	sshll.u32 s2, $0x7;
	p0 =	sgt.s32 s2, $0x7F  }
0x63: {  	s10 =	smul.u32 s0, s1;
	s0 =	ssub.s32 $0x4000, s11;
	s1 =	sadd.s32 $0x1, s16  }
0x64: {  	s2 =	sadd.s32 $0x1, s14;
	s0 =	simm.s32 @p0 $0x0;
	p0 =	slt.s32 s1, $0x8  }
0x65: {  	s1 =	simm.s32 @!p0 $0x8;
	p0 =	slt.s32 s2, $0x15  }
0x66: {  	s2 =	simm.s32 @!p0 $0x15  }
0x67: {  	s27 =	ssub.s32 s1, s16;
	s1 =	sadd.s32 $0x80, s13;
	s28 =	ssub.s32 s2, s14  }
0x68: {  	p1 =	slt.s32 s1, $0x140;
	p0 =	slt.s32 s27, $0x1;
	s2 =	smov.u32 s12  }
0x69: {  	s1 =	simm.s32 @!p1 $0x140;
	p1 =	slt.s32 s12, $0x70;
	p2 =	slt.s32 @!p0 s28, $0x1  }
0x6a: {  	s29 =	ssub.s32 s1, s13;
	s2 =	simm.s32 @!p1 $0x70;
	p1 =	por p0, p2  }
0x6b: {  	s24 =	ssub.s32 s2, s12;
	p2 =	slt.s32 @!p1 s29, $0x1  }
0x6c: {  	s30 =	sadd.s32 $0x80, s24;
	p1 =	por p1, p2  }
0x6d: {  	p2 =	seq.s32 @!p1 s30, $0x0  }
0x6e: {  	s0 =	smul.u32 s10, s0;
	p1 =	por p1, p2  }
.Ltmp3:
0x6f: {  	_ = 	snop;
	(pc) =	sbr.rel @p1 .LBB1_11-.Ltmp3, $4  }
0x70: {  	s26 =	simm.s32 $0x1;
	[dreg:$0xa] =	wrdreg s10;
	s25 =	sand.u32 $0x3FFFFF80, s0  }
0x71: {  	_ =	swait.ge [sflag:s26], s25  }
0x72: {  	s0 =	sand.u32 $0x1, s19;
	s31 =	ssub.s32 $0x0, s25;
	[sflag:s26] =	ssyncset.done $0x0  }
0x73: {  	[sflag:s26] =	ssyncadd.s32 s31;
	s26 =	smul.u32 $0x4080, s0  }
0x74: {  	_ = 	snop  }
0x75: {  	s31 =	sshll.u32 @!p0 s0, $0xE;
	s0 =	simm.s32 $0x0;
	s1 =	sor.u32 @!p0 $0x8000, s26  }
.LBB1_4:
0x76: {  	s3 =	simm.s32 $0x0  }
.LBB1_5:
0x77: {  	s2 =	sadd.s32 s0, s3  }
0x78: {  	s4 =	smul.u32 $0x10200, s2  }
0x79: {  	s2 =	sshll.u32 s2, $0x10  }
0x7a: {  	s2 =	sshra.s32 s2, $0x2;
	s4 =	sshra.s32 s4, $0x2  }
0x7b: {  	s6 =	simm.s32 $0x0;
	s11 =	sadd.s32 s2, s31;
	s2 =	sadd.s32 s4, s1  }
.LBB1_6:
0x7c: {  	s8 =	sshll.u32 s6, $0x7;
	s9 =	sshrl.u32 s6, $0x4  }
0x7d: {  	s25 =	sand.u32 $0x7F, s6;
	s10 =	simm.s32 $0x0;
	s4 =	sand.u32 $0x380, s8  }
0x7e: {  	s7 =	sadd.s32 s25, s2;
	s5 =	sadd.s32 s4, s11;
	s4 =	simm.s32 $0x0  }
.LBB1_7:
0x7f: {  	s24 =	sand.u32 $0x3C00, s4  }
0x80: {  	s24 =	sadd.s32 s8, s24  }
0x81: {  	s24 =	sand.u32 $0x3C00, s24  }
0x82: {  	s25 =	sand.u32 $0x70, s10;
	s24 =	sadd.s32 s24, s5  }
0x83: {  	s24 =	sadd.s32 s25, s24;
	s25 =	sadd.s32 s10, s9  }
0x84: {  	s10 =	sadd.s32 $0x10, s10;
	s25 =	sand.u32 $0x78, s25  }
0x85: {  	v0 =	vld [tilespmem:s24+$0x0];
	p0 =	slt.u32 s10, s30;
	s24 =	smul.u32 $0x204, s25  }
.Ltmp4:
0x86: {  	_ = 	snop;
	(pc) =	sbr.rel @p0 .LBB1_7-.Ltmp4, $4  }
0x87: {  	_ = 	snop  }
0x88: {  	s24 =	sshrl.u32 s24, $0x2  }
0x89: {  	s24 =	sadd.s32 s24, s7  }
0x8a: {  	s4 =	sadd.s32 $0x80, s4;
	[tilespmem:s24+$0x0 ss:$0x81] =	vst.msk $0xffff, v0  }
0x8b: {  	s6 =	sadd.s32 $0x1, s6  }
0x8c: {  	p0 =	sne.s32 s6, s29  }
.Ltmp5:
0x8d: {  	_ = 	snop;
	(pc) =	sbr.rel @p0 .LBB1_6-.Ltmp5, $1  }
0x8e: {  	_ =	sdelay $0x3  }
0x8f: {  	s3 =	sadd.s32 $0x1, s3  }
0x90: {  	p0 =	sne.s32 s3, s28  }
.Ltmp6:
0x91: {  	_ = 	snop;
	(pc) =	sbr.rel @p0 .LBB1_5-.Ltmp6, $1  }
0x92: {  	_ =	sdelay $0x3  }
0x93: {  	s0 =	sadd.s32 $0x1, s0  }
0x94: {  	p0 =	sne.s32 s0, s27  }
.Ltmp7:
0x95: {  	_ = 	snop;
	(pc) =	sbr.rel @p0 .LBB1_4-.Ltmp7, $4  }
.Ltmp8:
0x96: {  	_ = 	snop;
	(pc) =	sbr.rel @!p0 .LBB1_11-.Ltmp8, $4  }
0x97: {  	_ = 	snop  }
0x98: {  	_ = 	snop  }
0x99: {  	_ = 	snop  }
0x9a: {  	_ = 	snop  }
.LBB1_13:
0x9b: {  	_ =	sfence.sel $0x180000  }
0x9c: {  	s0 =	simm.s32 $0x1;
	[bflag:$0x0] =	sbarrier.arrive $0xFFFF  }
0x9d: {  	s30 =	simm.s32 $0x2;
	[sflag:s0] =	ssyncpa.u1 $0x1  }
0x9e: {  	[sflag:s30] =	ssyncpa.u1 $0x1  }
0x9f: {  	_ =	strace $0x90000047  }
0xa0: {  	s31 =	stileid.u32;
	[bflag:$0x2] =	sbarrier.arrive $0xFFFF  }
0xa1: {  	p0 =	sne.s32 s31, $0x0;
	s0 =	rddreg [dreg:$0x2]  }
0xa2: {  	s0 =	sadd.s32 @!p0 $0x100000, s0  }
0xa3: {  	[sflag:s0] =	ssyncadd.tile.s32 @!p0 $0x1;
	_ =	shalt  }
.Lfunc_end1:
_tile_overlayer_lowered:
.L_overlay_start_2:
0xa4: {  	(tag) =	ssettag $0x2  }
0xa5: {  	s0 =	rddreg [dreg:$0x0];
	s2 =	stileid.u32  }
0xa6: {  	s1 =	rddreg [dreg:$0x1];
	p0 =	sne.s32 s2, $0x0  }
0xa7: {  	s3 =	rddreg [dreg:$0x2];
	[bflag:$0x3] =	sbarrier.arrive $0xFFFF;
	s2 =	simm.s32 @!p0 $0x1C01  }
0xa8: {  	[timem:s3], [sflag:s2] =	dma.local @!p0 [hbm:s0], s1  }
0xa9: {  	s0 =	simm.s32 @!p0 $0x1  }
0xaa: {  	_ =	swait.ge @!p0 [sflag:s0], s1  }
0xab: {  	s1 =	ssub.s32 @!p0 $0x0, s1;
	[sflag:s0] =	ssyncset.done @!p0 $0x0  }
0xac: {  	[sflag:s0] =	ssyncadd.s32 @!p0 s1  }
0xad: {  	[bflag:$0x3] =	sbarrier.arrive $0xFFFF  }
0xae: {  	_ =	shalt  }

// kernel: sparse-core-data-format-call.cloned.1.call-start
scs
called_computation_lowered:
.L_overlay_start_0:
0x0: {  	s2 =	sld [smem:$0x3FD9]  }
0x1: {  	s3 =	sld [smem:$0x3FFE];
	_ =	sdelay $0x1  }
0x2: {  	s1 =	srdreg.scid  }
0x3: {  	s0 =	sand.u32 $0x1, s1  }
0x4: {  	s18 =	sshll.u32 s0, $0xA;
	s2 =	sadd.s32 s3, s2  }
0x5: {  	s2 =	sadd.s32 s2, s18  }
0x6: {  	[smem:$0x3FBD] =	sst s2  }
0x7: {  	_ = 	snop  }
0x8: {  	s19 =	sld [smem:$0x3FC4];
	(tm) =	ssettm $0x1  }
0x9: {  	s20 =	sld [smem:$0x3FFB];
	_ =	sdelay $0x3  }
0xa: {  	_ =	strace s20  }
0xb: {  	s2 =	sld [smem:$0x3FFC];
	_ =	sdelay $0x3  }
0xc: {  	_ =	strace s2  }
0xd: {  	s2 =	sld [smem:$0x3FFD];
	_ =	sdelay $0x3  }
0xe: {  	_ =	strace s2  }
0xf: {  	_ =	strace $0x8FFFFFFF  }
0x10: {  	s21 =	sld [smem:$0x3FDB];
	_ =	sdelay $0x1  }
0x11: {  	s4 =	simm.s32 $_scs_section_size  }
0x12: {  	s5 =	simm.s32 $_size__tile_overlayer_lowered;
	s6 =	simm.s32 $_tile_overlayer_lowered  }
0x13: {  	s7 =	simm.s32 $0x1BFF;
	s22 =	sshll.u32 s6, $0x1;
	s4 =	sadd.s32 s4, s21  }
0x14: {  	s23 =	simm.s32 $0x0;
	s5 =	sshll.u32 s5, $0x1;
	s6 =	sadd.s32 s22, s4  }
0x15: {  	[timem:s23], [sflag:s7] =	dma.local [hbm:s6], s5  }
0x16: {  	_ =	swait.ge [sflag:s7], s5  }
0x17: {  	s5 =	ssub.s32 $0x0, s5;
	[sflag:s7] =	ssyncset.done $0x0  }
0x18: {  	[sflag:s7] =	ssyncadd.s32 s5;
	_ =	sdelay $0x1  }
0x19: {  	s24 =	simm.s32 $0x1B8B  }
0x1a: {  	_ =	swait.ge [sflag:s24], $0x1  }
0x1b: {  	[sflag:s24] =	ssyncset.done $0x0  }
0x1c: {  	[sflag:s24] =	ssyncadd.s32 $0xFFFFFFFF  }
0x1d: {  	s5 =	sld [smem:$0x0]  }
0x1e: {  	s6 =	sand.u32 $0xFFFFFFFE, s1  }
0x1f: {  	p0 =	sne.s32 s1, s6  }
0x20: {  	s6 =	sshll.u32 @p0 s6, $0xE  }
0x21: {  	s6 =	sadd.s32 @p0 $0x11B8D, s6;
	s7 =	sshll.u32 @p0 s5, $0x11  }
0x22: {  	s6 =	sor.u32 @p0 s7, s6  }
0x23: {  	[sflag:s6] =	ssyncadd.remote.s32 @p0 $0x1;
	_ =	sdelay $0x1  }
0x24: {  	s6 =	simm.s32 @p0 $0x1B8D  }
0x25: {  	_ =	swait.eq @p0 [sflag:s6], $0x1  }
0x26: {  	[sflag:s6] =	ssyncadd.s32 @p0 $0xFFFFFFFF  }
0x27: {  	s7 =	sshll.u32 @!p0 s1, $0xE  }
0x28: {  	s7 =	sor.u32 @!p0 $0x4000, s7;
	s6 =	simm.s32 @!p0 $0x1B8D  }
0x29: {  	s5 =	sshll.u32 @!p0 s5, $0x11;
	s7 =	sadd.s32 @!p0 $0x11B8D, s7;
	_ =	swait.eq @!p0 [sflag:s6], $0x1  }
0x2a: {  	s5 =	sor.u32 @!p0 s5, s7;
	[sflag:s6] =	ssyncadd.s32 @!p0 $0xFFFFFFFF  }
0x2b: {  	s26 =	simm.s32 $0x1B8E;
	s25 =	sld [smem:$0x3FFE];
	[sflag:s5] =	ssyncadd.remote.s32 @!p0 $0x1  }
0x2c: {  	s27 =	simm.s32 $execute0_lowered;
	[smem:$0x3FD2] =	sst s26  }
0x2d: {  	s6 =	sshll.u32 s27, $0x1;
	_ =	strace $0x80000049;
	[dreg:$0x1] =	wrdreg $0xFFFFFFFF  }
0x2e: {  	s28 =	simm.s32 $_size_execute0_lowered;
	s4 =	sadd.s32 s4, s6;
	[dreg:$0x0] =	wrdreg $0x0  }
0x2f: {  	s6 =	sshll.u32 s28, $0x1;
	[dreg:$0x2] =	wrdreg s4  }
0x30: {  	[dreg:$0x3] =	wrdreg s6  }
0x31: {  	[dreg:$0x4] =	wrdreg $0xC0  }
0x32: {  	_ =	task [dreg:s23], $0x5FFFF  }
0x33: {  	[dreg:$0x1] =	wrdreg $0xFFFFFFFF  }
0x34: {  	[dreg:$0x0] =	wrdreg $0x60  }
0x35: {  	[dreg:$0x2] =	wrdreg s19  }
0x36: {  	[dreg:$0x3] =	wrdreg s25  }
0x37: {  	[dreg:$0x4] =	wrdreg $0x9  }
0x38: {  	_ =	task.clear_ibuf [dreg:s23], $0x5FFFF;
	_ =	strace $0x90000049  }
0x39: {  	s29 =	simm.s32 $0x9;
	_ =	strace $0x8000004B  }
0x3a: {  	_ =	swait.ge [sflag:s29], $0x1  }
0x3b: {  	[sflag:s29] =	ssyncadd.s32 $0xFFFFFFFF  }
0x3c: {  	_ =	strace $0x9000004B  }
0x3d: {  	_ =	sfence  }
0x3e: {  	s30 =	sld [smem:$0x0];
	_ =	sdelay $0x2  }
0x3f: {  	s31 =	sshll.u32 s1, $0xD;
	s1 =	sshrl.u32 s1, $0x2  }
0x40: {  	s4 =	sand.u32 $0x4000, s31;
	s1 =	sadd.s32 s1, s30  }
0x41: {  	s0 =	sor.u32 s4, s0;
	s1 =	sshll.u32 s1, $0x11  }
0x42: {  	s0 =	sor.u32 s1, s0  }
0x43: {  	s0 =	sadd.s32 $0x8F2B, s0  }
0x44: {  	[sflag:s0] =	ssyncadd.remote.s32 $0x1  }
0x45: {  	_ =	sfence.sel $0xFFFF  }
0x46: {  	[dreg:$0x0] =	wrdreg $0xFFFFFFFF;
	(pc) =	sbr.abs _section_cstart, $3  }
0x47: {  	[dreg:$0x1] =	wrdreg $0xFFFFFFFF  }
0x48: {  	_ =	task.clear_ibuf [dreg:s23], $0x2FFFF;
	_ =	strace $0x9FFFFFFF  }
0x49: {  	(tm) =	ssettm $0x7FFFFFFF  }
tec
execute0_lowered:
.L_overlay_start_1:
0x0: {  	(tag) =	ssettag $0x1  }
0x1: {  	s2 =	stileid.u32;
	s0 =	rddreg [dreg:$0x1]  }
0x2: {  	_ =	strace $0x8000004A;
	s27 =	srdreg.scid;
	s28 =	simm.s32 $0x1  }
0x3: {  	s29 =	simm.s32 $0x2;
	s21 =	simm.s32 $0x0;
	s20 =	simm.s32 $0x0  }
0x4: {  	s22 =	simm.s32 $0x0;
	s23 =	simm.s32 $0x0;
	s1 =	sshll.u32 s2, $0x4  }
0x5: {  	s12 =	simm.s32 $0x0;
	s13 =	simm.s32 $0x0;
	s15 =	sand.u32 $0x80, s1  }
0x6: {  	s14 =	simm.s32 $0x0;
	s0 =	sadd.s32 $0x1D8800, s0;
	s26 =	ssub.s32 $0x100, s15  }
0x7: {  	s18 =	sand.u32 $0x7, s2;
	[dreg:$0x4] =	wrdreg s0;
	s0 =	sshrl.u32 s26, $0x8  }
0x8: {  	s1 =	sshll.u32 s27, $0x7;
	[dreg:$0x5] =	wrdreg s18;
	s0 =	smul.u32 $0x15, s0  }
.Ltmp0:
0x9: {  	s3 =	sand.u32 $0x80, s1;
	[dreg:$0x3] =	wrdreg s15;
	(pc) =	sbr.rel .LBB1_1-.Ltmp0, $4  }
0xa: {  	s16 =	simm.s32 $0x0;
	[dreg:$0x6] =	wrdreg s3;
	s31 =	sshll.u32 s3, $0x3  }
0xb: {  	s17 =	simm.s32 $0x0;
	[dreg:$0x8] =	wrdreg s31;
	s30 =	sadd.s32 $0x15, s0  }
0xc: {  	[sflag:s28] =	ssyncpa.u1 $0x0;
	s7 =	sadd.s32 $0x16, s0;
	[dreg:$0x7] =	wrdreg s30  }
0xd: {  	s19 =	simm.s32 $0x0;
	[sflag:s29] =	ssyncpa.u1 $0x0;
	[dreg:$0x9] =	wrdreg s7  }
.LBB1_11:
0xe: {  	s0 =	sshrl.u32 s12, $0x3;
	s1 =	sshll.u32 s13, $0x3;
	s8 =	sand.u32 $0x7F, s13  }
0xf: {  	p0 =	sgt.s32 s12, $0x70;
	s3 =	smov.u32 s12;
	s0 =	smul.u32 $0xC00, s0  }
0x10: {  	s5 =	rddreg [dreg:$0xa];
	s11 =	smul.u32 $0x3B100, s16;
	s1 =	sand.u32 $0xFFFFFC00, s1  }
0x11: {  	s6 =	rddreg [dreg:$0xb];
	s24 =	smul.u32 $0x2D00, s14;
	s0 =	sadd.s32 s1, s0  }
0x12: {  	s25 =	rddreg [dreg:$0x4];
	s3 =	simm.s32 @!p0 $0x70;
	s2 =	smulhi.u32 $0xAAAAAAAB, s0  }
0x13: {  	p0 =	sgt.s32 s13, $0x100;
	s1 =	smov.u32 s13;
	s0 =	sor.u32 s8, s0  }
0x14: {  	s1 =	simm.s32 @!p0 $0x100;
	s4 =	smulhi.u32 $0xAAAAAAAB, s0;
	s2 =	sshrl.u32 s2, $0x8  }
0x15: {  	s3 =	ssub.s32 $0xF0, s3;
	s1 =	sadd.s32 s5, s1;
	s9 =	smulhi.u32 $0x1111112, s2  }
0x16: {  	s3 =	smul.u32 s3, s6;
	s10 =	sadd.s32 $0xFFFFFF00, s1;
	s1 =	ssub.s32 $0x180, s1  }
0x17: {  	s4 =	sshrl.u32 s4, $0x8;
	p0 =	sgt.s32 s10, $0x7F;
	s5 =	smul.u32 $0xF0, s9  }
0x18: {  	s29 =	sor.u32 $0x8000, s26;
	s4 =	smul.u32 $0x180, s4;
	s1 =	simm.s32 @p0 $0x0  }
0x19: {  	s31 =	simm.s32 $0xC00;
	s1 =	smul.u32 s1, s3;
	s2 =	ssub.s32 s2, s5  }
0x1a: {  	s3 =	sadd.s32 s25, s11;
	s0 =	ssub.s32 s0, s4;
	s2 =	smul.u32 $0x30, s2  }
0x1b: {  	s7 =	rddreg [dreg:$0x9];
	s3 =	sadd.s32 s24, s3;
	s27 =	sand.u32 $0x7, s0  }
0x1c: {  	s0 =	sshrl.u32 s0, $0x3;
	s28 =	sshll.u32 s27, $0x12;
	s2 =	sadd.s32 s2, s3  }
0x1d: {  	s1 =	sand.u32 $0x3FFFFFFF, s1;
	s30 =	sor.u32 $0x400, s28;
	s0 =	sadd.s32 s0, s2  }
0x1e: {  	[hbm4b:s0+s30] =	stream.strided.scatter [tilespmem:s29], [sflag:$0x2], s1, s31, s30, $0x20;
	[tilespmem:$0x10100] =	vst v63  }
.LBB1_12:
0x1f: {  	p0 =	slt.u32 s19, $0x2  }
0x20: {  	s0 =	smov.u32 s23;
	s2 =	smov.u32 s22;
	p1 =	sgt.s32 @!p0 s23, $0x7  }
0x21: {  	s1 =	sshra.s32 @!p0 s23, $0x1F;
	s3 =	sshra.s32 @!p0 s22, $0x1F;
	p1 =	por !p1, p0  }
0x22: {  	s1 =	sand.u32 @!p0 s1, s23;
	s0 =	simm.s32 @p1 $0x7;
	p1 =	sgt.s32 @!p0 s22, $0x14  }
0x23: {  	p3 =	sgt.s32 @!p0 s20, $0x100;
	s0 =	ssub.s32 @!p0 s0, s1;
	p1 =	por !p1, p0  }
0x24: {  	p3 =	por !p3, p0;
	s1 =	sadd.s32 @!p0 $0xFFFFFFF9, s0;
	s2 =	simm.s32 @p1 $0x14  }
0x25: {  	s0 =	ssub.s32 @!p0 $0x8, s0;
	p2 =	sgt.s32 @!p0 s1, $0x0;
	s1 =	sand.u32 @!p0 s3, s22  }
0x26: {  	s3 =	sshra.s32 @!p0 s20, $0x1F;
	p1 =	por !p2, p0;
	s1 =	ssub.s32 @!p0 s2, s1  }
0x27: {  	p2 =	sgt.s32 @!p0 s21, $0x70;
	s0 =	simm.s32 @!p1 $0x0;
	s2 =	sadd.s32 @!p0 $0xFFFFFFEC, s1  }
0x28: {  	p2 =	por !p2, p0;
	p1 =	sgt.s32 @!p0 s2, $0x0;
	s2 =	smov.u32 s20  }
0x29: {  	s3 =	sand.u32 @!p0 s3, s20;
	s21 =	simm.s32 @p2 $0x70;
	s2 =	simm.s32 @p3 $0x100  }
0x2a: {  	s1 =	ssub.s32 @!p0 $0x15, s1;
	s4 =	ssub.s32 @!p0 $0xF0, s21;
	s2 =	ssub.s32 @!p0 s2, s3  }
0x2b: {  	p1 =	por !p1, p0;
	s0 =	smul.u32 @!p0 s0, s4;
	s3 =	sadd.s32 @!p0 $0xFFFFFF00, s2  }
0x2c: {  	s1 =	simm.s32 @!p1 $0x0;
	p1 =	sgt.s32 @!p0 s3, $0x7F  }
0x2d: {  	s2 =	ssub.s32 @!p0 $0x180, s2;
	s0 =	smul.u32 @!p0 s1, s0;
	p1 =	por !p1, p0  }
0x2e: {  	s1 =	sadd.s32 $0x100, s15;
	s2 =	simm.s32 @!p1 $0x0  }
0x2f: {  	p1 =	sgt.s32 s1, $0x13F;
	s0 =	smul.u32 @!p0 s2, s0;
	s2 =	simm.s32 $0x1  }
0x30: {  	s5 =	smov.u32 s18;
	s4 =	rddreg [dreg:$0x3];
	s2 =	simm.s32 @!p1 $0x0  }
0x31: {  	s3 =	simm.s32 @!p0 $0x2;
	s1 =	smov.u32 @p1 s4;
	s2 =	sadd.s32 s2, s17  }
0x32: {  	s4 =	sadd.s32 $0x8, s18;
	s0 =	sand.u32 @!p0 $0x3FFFFFFF, s0;
	p1 =	sgt.s32 s2, $0x14  }
0x33: {  	s31 =	sadd.s32 $0x1, s19;
	_ =	swait.ge @!p0 [sflag:s3], s0;
	s5 =	smov.u32 @p1 s4  }
0x34: {  	s2 =	simm.s32 @p1 $0x0;
	s4 =	rddreg [dreg:$0x5];
	p1 =	sgt.s32 s5, $0x7  }
0x35: {  	s23 =	smov.u32 s16;
	s5 =	smov.u32 @p1 s4;
	p1 =	sne.s32 s19, s7  }
.Ltmp1:
0x36: {  	s16 =	smov.u32 s18;
	s22 =	smov.u32 s14;
	(pc) =	sbr.rel @!p1 .LBB1_13-.Ltmp1, $4  }
0x37: {  	s14 =	smov.u32 s17;
	s20 =	smov.u32 s13;
	s13 =	smov.u32 s15  }
0x38: {  	s21 =	smov.u32 s12;
	s0 =	ssub.s32 @!p0 $0x0, s0;
	[sflag:s3] =	ssyncset.done @!p0 $0x0  }
0x39: {  	s15 =	smov.u32 s1;
	s12 =	rddreg [dreg:$0x6];
	[sflag:s3] =	ssyncadd.s32 @!p0 s0  }
0x3a: {  	s17 =	smov.u32 s2;
	s19 =	smov.u32 s31;
	s18 =	smov.u32 s5  }
.LBB1_1:
0x3b: {  	s0 =	rddreg [dreg:$0x7]  }
0x3c: {  	p0 =	sge.u32 s19, s0  }
0x3d: {  	s2 =	rddreg [dreg:$0x8];
	s3 =	smov.u32 s18;
	s0 =	sshll.u32 @!p0 s15, $0x8  }
0x3e: {  	s1 =	sshll.u32 @!p0 s15, $0x7;
	p1 =	sgt.s32 @!p0 s18, $0x7;
	s4 =	sshra.s32 @!p0 s18, $0x1F  }
0x3f: {  	s5 =	sshra.s32 @!p0 s17, $0x1F;
	s0 =	sand.u32 @!p0 $0xFFFFF800, s0;
	s1 =	sand.u32 @!p0 $0x300, s1  }
0x40: {  	p1 =	por !p1, p0;
	s4 =	sand.u32 @!p0 s4, s18;
	s5 =	sand.u32 @!p0 s5, s17  }
0x41: {  	s0 =	sor.u32 @!p0 s2, s0;
	s2 =	sxor.u32 @!p0 $0xFFFFFFFF, s19;
	s3 =	simm.s32 @p1 $0x7  }
0x42: {  	p1 =	sgt.s32 @!p0 s17, $0x14;
	s0 =	sor.u32 @!p0 s1, s0;
	s3 =	ssub.s32 @!p0 s3, s4  }
0x43: {  	p1 =	por !p1, p0;
	s4 =	smov.u32 s17;
	s2 =	sshll.u32 @!p0 s2, $0xE  }
0x44: {  	s0 =	sshrl.u32 @!p0 s0, $0x8;
	s4 =	simm.s32 @p1 $0x14;
	p1 =	sgt.s32 @!p0 s15, $0xC0  }
0x45: {  	s3 =	sadd.s32 @!p0 $0xFFFFFFF9, s3;
	s1 =	smulhi.u32 @!p0 $0xCCCCCD, s0;
	s4 =	ssub.s32 @!p0 s4, s5  }
0x46: {  	p1 =	por !p1, p0;
	s5 =	smov.u32 s15;
	p2 =	sgt.s32 @!p0 s3, $0x0  }
0x47: {  	s3 =	sshll.u32 @!p0 s3, $0x7;
	s6 =	sadd.s32 @!p0 $0xFFFFFFEC, s4;
	s5 =	simm.s32 @p1 $0xC0  }
0x48: {  	s4 =	ssub.s32 @!p0 $0x15, s4;
	p1 =	sgt.s32 @!p0 s6, $0x0;
	s6 =	sshra.s32 @!p0 s15, $0x1F  }
0x49: {  	s3 =	ssub.s32 @!p0 $0x80, s3;
	p2 =	por !p2, p0;
	s6 =	sand.u32 @!p0 s6, s15  }
0x4a: {  	s1 =	smul.u32 @!p0 $0x140, s1;
	p1 =	por !p1, p0;
	s5 =	ssub.s32 @!p0 s5, s6  }
0x4b: {  	s3 =	simm.s32 @!p2 $0x0;
	s4 =	simm.s32 @!p1 $0x0;
	s6 =	sadd.s32 @!p0 $0xFFFFFF40, s5  }
0x4c: {  	s0 =	ssub.s32 @!p0 s0, s1;
	s3 =	smul.u32 @!p0 s4, s3;
	p1 =	sgt.s32 @!p0 s6, $0x7F  }
0x4d: {  	s4 =	ssub.s32 @!p0 $0x140, s5;
	s5 =	smul.u32 @!p0 $0x34800, s18;
	p1 =	por !p1, p0  }
0x4e: {  	s1 =	smul.u32 @!p0 $0x2800, s17;
	s6 =	rddreg [dreg:$0x0];
	s4 =	simm.s32 @!p1 $0x0  }
0x4f: {  	s5 =	sadd.s32 @!p0 s6, s5;
	s3 =	smul.u32 @!p0 s4, s3;
	s4 =	sshll.u32 @!p0 s15, $0x4  }
0x50: {  	s2 =	sand.u32 @!p0 $0x4000, s2;
	s1 =	sadd.s32 @!p0 s1, s5;
	s4 =	sand.u32 @!p0 $0x10, s4  }
0x51: {  	s0 =	sshll.u32 @!p0 s0, $0x5;
	s3 =	sand.u32 @!p0 $0x3FFFFF80, s3;
	s1 =	sadd.s32 @!p0 s4, s1  }
0x52: {  	s4 =	simm.s32 @!p0 $0x800;
	s0 =	sadd.s32 @!p0 s0, s1;
	s1 =	simm.s32 @!p0 $0x400  }
0x53: {  	[tilespmem:s2], [sflag:$0x1] =	stream.strided.gather @!p0 [hbm4b:s0+s1], s3, s4, s1, $0x38;
	[tilespmem:$0x10100] =	vst v63  }
0x54: {  	p0 =	seq.s32 s19, $0x0  }
0x55: {  	p1 =	sge.u32 @!p0 s19, s7  }
0x56: {  	p0 =	por p0, p1  }
.Ltmp2:
0x57: {  	_ = 	snop;
	(pc) =	sbr.rel @p0 .LBB1_12-.Ltmp2, $1  }
0x58: {  	_ =	sdelay $0x3  }
0x59: {  	p0 =	sgt.s32 s16, $0x7  }
0x5a: {  	s0 =	smov.u32 s16;
	s1 =	sshra.s32 s16, $0x1F;
	s2 =	sshra.s32 s14, $0x1F  }
0x5b: {  	s8 =	ssub.s32 $0x0, s13;
	s9 =	sshra.s32 s13, $0x1F;
	p1 =	sgt.s32 s13, $0xC0  }
0x5c: {  	s4 =	smov.u32 s13;
	s0 =	simm.s32 @!p0 $0x7;
	s1 =	sand.u32 s1, s16  }
0x5d: {  	p0 =	sgt.s32 s14, $0x14;
	s0 =	ssub.s32 s0, s1;
	s1 =	smov.u32 s14  }
0x5e: {  	s2 =	sand.u32 s2, s14;
	s4 =	simm.s32 @!p1 $0xC0;
	s1 =	simm.s32 @!p0 $0x14  }
0x5f: {  	s3 =	sadd.s32 $0xFFFFFFF9, s0;
	s0 =	ssub.s32 $0x8, s0;
	s1 =	ssub.s32 s1, s2  }
0x60: {  	p0 =	sgt.s32 s3, $0x0;
	s2 =	sand.u32 s8, s9;
	s5 =	sadd.s32 $0xFFFFFFEC, s1  }
0x61: {  	s1 =	ssub.s32 $0x15, s1;
	[dreg:$0xa] =	wrdreg s2;
	s2 =	sadd.s32 s2, s4  }
0x62: {  	s0 =	simm.s32 @p0 $0x0;
	p1 =	sgt.s32 s5, $0x0;
	s2 =	sadd.s32 $0xFFFFFF40, s2  }
0x63: {  	s1 =	simm.s32 @p1 $0x0;
	s11 =	sshll.u32 s2, $0x7;
	p0 =	sgt.s32 s2, $0x7F  }
0x64: {  	s10 =	smul.u32 s0, s1;
	s0 =	ssub.s32 $0x4000, s11;
	s1 =	sadd.s32 $0x1, s16  }
0x65: {  	s2 =	sadd.s32 $0x1, s14;
	s0 =	simm.s32 @p0 $0x0;
	p0 =	slt.s32 s1, $0x8  }
0x66: {  	s1 =	simm.s32 @!p0 $0x8;
	p0 =	slt.s32 s2, $0x15  }
0x67: {  	s2 =	simm.s32 @!p0 $0x15  }
0x68: {  	s27 =	ssub.s32 s1, s16;
	s1 =	sadd.s32 $0x80, s13;
	s28 =	ssub.s32 s2, s14  }
0x69: {  	p1 =	slt.s32 s1, $0x140;
	p0 =	slt.s32 s27, $0x1;
	s2 =	smov.u32 s12  }
0x6a: {  	s1 =	simm.s32 @!p1 $0x140;
	p1 =	slt.s32 s12, $0x70;
	p2 =	slt.s32 @!p0 s28, $0x1  }
0x6b: {  	s29 =	ssub.s32 s1, s13;
	s2 =	simm.s32 @!p1 $0x70;
	p1 =	por p0, p2  }
0x6c: {  	s24 =	ssub.s32 s2, s12;
	p2 =	slt.s32 @!p1 s29, $0x1  }
0x6d: {  	s30 =	sadd.s32 $0x80, s24;
	p1 =	por p1, p2  }
0x6e: {  	p2 =	seq.s32 @!p1 s30, $0x0  }
0x6f: {  	s0 =	smul.u32 s10, s0;
	p1 =	por p1, p2  }
.Ltmp3:
0x70: {  	_ = 	snop;
	(pc) =	sbr.rel @p1 .LBB1_11-.Ltmp3, $4  }
0x71: {  	s26 =	simm.s32 $0x1;
	[dreg:$0xb] =	wrdreg s10;
	s25 =	sand.u32 $0x3FFFFF80, s0  }
0x72: {  	_ =	swait.ge [sflag:s26], s25  }
0x73: {  	s0 =	sand.u32 $0x1, s19;
	s31 =	ssub.s32 $0x0, s25;
	[sflag:s26] =	ssyncset.done $0x0  }
0x74: {  	[sflag:s26] =	ssyncadd.s32 s31;
	s26 =	smul.u32 $0x4080, s0  }
0x75: {  	_ = 	snop  }
0x76: {  	s31 =	sshll.u32 @!p0 s0, $0xE;
	s0 =	simm.s32 $0x0;
	s1 =	sor.u32 @!p0 $0x8000, s26  }
.LBB1_4:
0x77: {  	s11 =	simm.s32 $0x0  }
.LBB1_5:
0x78: {  	s2 =	sadd.s32 s0, s11  }
0x79: {  	s3 =	smul.u32 $0x10200, s2  }
0x7a: {  	s2 =	sshll.u32 s2, $0x10  }
0x7b: {  	s2 =	sshra.s32 s2, $0x2;
	s3 =	sshra.s32 s3, $0x2  }
0x7c: {  	s6 =	simm.s32 $0x0;
	s2 =	sadd.s32 s2, s31;
	s4 =	sadd.s32 s3, s1  }
.LBB1_6:
0x7d: {  	s8 =	sshll.u32 s6, $0x7;
	s9 =	sshrl.u32 s6, $0x4  }
0x7e: {  	s25 =	sand.u32 $0x7F, s6;
	s10 =	simm.s32 $0x0;
	s3 =	sand.u32 $0x380, s8  }
0x7f: {  	s7 =	sadd.s32 s25, s4;
	s5 =	sadd.s32 s3, s2;
	s3 =	simm.s32 $0x0  }
.LBB1_7:
0x80: {  	s24 =	sand.u32 $0x3C00, s3  }
0x81: {  	s24 =	sadd.s32 s8, s24  }
0x82: {  	s24 =	sand.u32 $0x3C00, s24  }
0x83: {  	s25 =	sand.u32 $0x70, s10;
	s24 =	sadd.s32 s24, s5  }
0x84: {  	s24 =	sadd.s32 s25, s24;
	s25 =	sadd.s32 s10, s9  }
0x85: {  	s10 =	sadd.s32 $0x10, s10;
	s25 =	sand.u32 $0x78, s25  }
0x86: {  	v0 =	vld [tilespmem:s24+$0x0];
	p0 =	slt.u32 s10, s30;
	s24 =	smul.u32 $0x204, s25  }
.Ltmp4:
0x87: {  	_ = 	snop;
	(pc) =	sbr.rel @p0 .LBB1_7-.Ltmp4, $4  }
0x88: {  	_ = 	snop  }
0x89: {  	s24 =	sshrl.u32 s24, $0x2  }
0x8a: {  	s24 =	sadd.s32 s24, s7  }
0x8b: {  	s3 =	sadd.s32 $0x80, s3;
	[tilespmem:s24+$0x0 ss:$0x81] =	vst.msk $0xffff, v0  }
0x8c: {  	s6 =	sadd.s32 $0x1, s6  }
0x8d: {  	p0 =	sne.s32 s6, s29  }
.Ltmp5:
0x8e: {  	_ = 	snop;
	(pc) =	sbr.rel @p0 .LBB1_6-.Ltmp5, $1  }
0x8f: {  	_ =	sdelay $0x3  }
0x90: {  	s11 =	sadd.s32 $0x1, s11  }
0x91: {  	p0 =	sne.s32 s11, s28  }
.Ltmp6:
0x92: {  	_ = 	snop;
	(pc) =	sbr.rel @p0 .LBB1_5-.Ltmp6, $1  }
0x93: {  	_ =	sdelay $0x3  }
0x94: {  	s0 =	sadd.s32 $0x1, s0  }
0x95: {  	p0 =	sne.s32 s0, s27  }
.Ltmp7:
0x96: {  	_ = 	snop;
	(pc) =	sbr.rel @p0 .LBB1_4-.Ltmp7, $4  }
.Ltmp8:
0x97: {  	_ = 	snop;
	(pc) =	sbr.rel @!p0 .LBB1_11-.Ltmp8, $4  }
0x98: {  	_ = 	snop  }
0x99: {  	_ = 	snop  }
0x9a: {  	_ = 	snop  }
0x9b: {  	_ = 	snop  }
.LBB1_13:
0x9c: {  	_ =	sfence.sel $0x180000  }
0x9d: {  	s0 =	simm.s32 $0x1;
	[bflag:$0x0] =	sbarrier.arrive $0xFFFF  }
0x9e: {  	s30 =	simm.s32 $0x2;
	[sflag:s0] =	ssyncpa.u1 $0x1  }
0x9f: {  	[sflag:s30] =	ssyncpa.u1 $0x1  }
0xa0: {  	_ =	strace $0x9000004A  }
0xa1: {  	s31 =	stileid.u32;
	[bflag:$0x2] =	sbarrier.arrive $0xFFFF  }
0xa2: {  	p0 =	sne.s32 s31, $0x0;
	s0 =	rddreg [dreg:$0x2]  }
0xa3: {  	s0 =	sadd.s32 @!p0 $0x100000, s0  }
0xa4: {  	[sflag:s0] =	ssyncadd.tile.s32 @!p0 $0x1;
	_ =	shalt  }
.Lfunc_end1:
_tile_overlayer_lowered:
.L_overlay_start_2:
0xa5: {  	(tag) =	ssettag $0x2  }
0xa6: {  	s0 =	rddreg [dreg:$0x0];
	s2 =	stileid.u32  }
0xa7: {  	s1 =	rddreg [dreg:$0x1];
	p0 =	sne.s32 s2, $0x0  }
0xa8: {  	s3 =	rddreg [dreg:$0x2];
	[bflag:$0x3] =	sbarrier.arrive $0xFFFF;
	s2 =	simm.s32 @!p0 $0x1C01  }
0xa9: {  	[timem:s3], [sflag:s2] =	dma.local @!p0 [hbm:s0], s1  }
0xaa: {  	s0 =	simm.s32 @!p0 $0x1  }
0xab: {  	_ =	swait.ge @!p0 [sflag:s0], s1  }
0xac: {  	s1 =	ssub.s32 @!p0 $0x0, s1;
	[sflag:s0] =	ssyncset.done @!p0 $0x0  }
0xad: {  	[sflag:s0] =	ssyncadd.s32 @!p0 s1  }
0xae: {  	[bflag:$0x3] =	sbarrier.arrive $0xFFFF  }
0xaf: {  	_ =	shalt  }

</sc_bundles>
